<compile_context>
chip_gen: v7x
topology: tpu7x:2x2x1
jax: 0.10.2.dev20260603
libtpu: 0.0.44.dev20260713+nightly
codegen_flags: <defaults>
</compile_context>

<pallas_src>
import jax
import jax.numpy as jnp
from jax.experimental import pallas as pl
from jax.experimental.pallas import tpu as pltpu
from jax.experimental.pallas import tpu_sc as plsc

BATCH = 16384
NF = 64


_NC = 2
_NS = 16
_NW = _NC * _NS


def _sc_gather_pair(users, items, user_table, item_table):
    mesh = plsc.VectorSubcoreMesh(core_axis_name="c", subcore_axis_name="s")
    n = users.shape[0]
    b_per_w = n // _NW
    out_type = (
        jax.ShapeDtypeStruct((n, NF), jnp.float32),
        jax.ShapeDtypeStruct((n, NF), jnp.float32),
    )

    @pl.kernel(
        out_type=out_type,
        mesh=mesh,
        scratch_types=[
            pltpu.VMEM((b_per_w,), jnp.int32),
            pltpu.VMEM((b_per_w,), jnp.int32),
            pltpu.VMEM((b_per_w, NF), jnp.float32),
            pltpu.SemaphoreType.DMA,
        ],
    )
    def gather_kernel(u_idx_hbm, i_idx_hbm, u_tab_hbm, i_tab_hbm,
                      u_out_hbm, i_out_hbm, uidx_s, iidx_s, rows_v, sem):
        wid = jax.lax.axis_index("s") * _NC + jax.lax.axis_index("c")
        base = wid * b_per_w
        pltpu.sync_copy(u_idx_hbm.at[pl.ds(base, b_per_w)], uidx_s)
        pltpu.sync_copy(i_idx_hbm.at[pl.ds(base, b_per_w)], iidx_s)

        def one_table(idx_ref, tab_hbm, out_hbm):
            @pl.loop(0, b_per_w, step=16)
            def _issue(k):
                v = idx_ref[pl.ds(k, 16)]
                for j in range(16):
                    pltpu.async_copy(tab_hbm.at[pl.ds(v[j], 1)],
                                     rows_v.at[pl.ds(k + j, 1)], sem)

            @pl.loop(0, b_per_w, step=128)
            def _drain(k):
                pltpu.make_async_copy(tab_hbm.at[pl.ds(0, 128)],
                                      rows_v.at[pl.ds(k, 128)], sem).wait()

            pltpu.sync_copy(rows_v, out_hbm.at[pl.ds(base, b_per_w)])

        one_table(uidx_s, u_tab_hbm, u_out_hbm)
        one_table(iidx_s, i_tab_hbm, i_out_hbm)

    return gather_kernel(users, items, user_table, item_table)



_BT = 2048


def _mlp_body(u_ref, i_ref, w1u_ref, w1i_ref, b1_ref, w2_ref, b2_ref,
              w3_ref, b3_ref, out_ref):
    h = jnp.dot(u_ref[...], w1u_ref[...], preferred_element_type=jnp.float32)
    h += jnp.dot(i_ref[...], w1i_ref[...], preferred_element_type=jnp.float32)
    h = jnp.maximum(h + b1_ref[...], 0.0)
    h = jnp.dot(h, w2_ref[...], preferred_element_type=jnp.float32)
    h = jnp.maximum(h + b2_ref[...], 0.0)
    out_ref[...] = (
        jnp.dot(h, w3_ref[...], preferred_element_type=jnp.float32)
        + b3_ref[...]
    )


def _tc_mlp(u, i, W1, b1, W2, b2, W3, b3):
    n = u.shape[0]
    w1u = W1[:NF]
    w1i = W1[NF:]
    grid = (n // _BT,)
    full = lambda *shape: pl.BlockSpec(shape, lambda g: (0,) * len(shape))
    out = pl.pallas_call(
        _mlp_body,
        grid=grid,
        in_specs=[
            pl.BlockSpec((_BT, NF), lambda g: (g, 0)),
            pl.BlockSpec((_BT, NF), lambda g: (g, 0)),
            full(NF, W1.shape[1]),
            full(NF, W1.shape[1]),
            full(1, b1.shape[0]),
            full(W2.shape[0], W2.shape[1]),
            full(1, b2.shape[0]),
            full(W3.shape[0], W3.shape[1]),
            full(1, 1),
        ],
        out_specs=pl.BlockSpec((_BT, 1), lambda g: (g, 0)),
        out_shape=jax.ShapeDtypeStruct((n, 1), jnp.float32),
    )(u, i, w1u, w1i, b1.reshape(1, -1), W2, b2.reshape(1, -1), W3,
      b3.reshape(1, 1))
    return out.reshape(n)


def kernel(users, items, user_table, item_table, W1, b1, W2, b2, W3, b3):
    users = users.astype(jnp.int32)
    items = items.astype(jnp.int32)
    u, i = _sc_gather_pair(users, items, user_table, item_table)
    return _tc_mlp(u, i, W1, b1, W2, b2, W3, b3)

# --- scband reference (transcript-rebuilt; emitter-appended) ---
"""Pipeline reference for scband-neural-recommender-66546223284587 (READ-ONLY COPY).

The authoritative reference and input builder live on the scoring server;
editing this copy changes nothing except your own understanding.
"""

import jax, jax.numpy as jnp
import numpy as np

N_USERS = 1000000
N_ITEMS = 1000000
N_FACTORS = 64
HIDDEN = [256, 128]
BATCH = 16384


def setup_inputs(seed: int = 0) -> dict:
    key = jax.random.key(seed)
    ks = jax.random.split(key, 12)
    users = jax.random.randint(ks[0], (BATCH,), 0, N_USERS, dtype=jnp.int64 if jax.config.jax_enable_x64 else jnp.int32)
    items = jax.random.randint(ks[1], (BATCH,), 0, N_ITEMS, dtype=jnp.int64 if jax.config.jax_enable_x64 else jnp.int32)
    user_table = jax.random.normal(ks[2], (N_USERS, N_FACTORS), dtype=jnp.float32) * 0.02
    item_table = jax.random.normal(ks[3], (N_ITEMS, N_FACTORS), dtype=jnp.float32) * 0.02
    d_in = N_FACTORS * 2
    W1 = jax.random.normal(ks[4], (d_in, HIDDEN[0]), dtype=jnp.float32) * (1.0 / np.sqrt(d_in))
    b1 = jnp.zeros((HIDDEN[0],), dtype=jnp.float32)
    W2 = jax.random.normal(ks[5], (HIDDEN[0], HIDDEN[1]), dtype=jnp.float32) * (1.0 / np.sqrt(HIDDEN[0]))
    b2 = jnp.zeros((HIDDEN[1],), dtype=jnp.float32)
    W3 = jax.random.normal(ks[6], (HIDDEN[1], 1), dtype=jnp.float32) * (1.0 / np.sqrt(HIDDEN[1]))
    b3 = jnp.zeros((1,), dtype=jnp.float32)
    return {
        "users": users,
        "items": items,
        "user_table": user_table,
        "item_table": item_table,
        "W1": W1, "b1": b1,
        "W2": W2, "b2": b2,
        "W3": W3, "b3": b3,
    }


def reference(users, items, user_table, item_table, W1, b1, W2, b2, W3, b3):
    u = jnp.take(user_table, users, axis=0)
    i = jnp.take(item_table, items, axis=0)
    x = jnp.concatenate([u, i], axis=1)
    x = jax.nn.relu(x @ W1 + b1)
    x = jax.nn.relu(x @ W2 + b2)
    out = (x @ W3 + b3).squeeze(1)
    return out

if __name__ == "__main__":
    import jax
    _d = setup_inputs()
    print(jax.jit(kernel)(*tuple(_d.values())))

</pallas_src>

<mosaic_0001>
#map = affine_map<(d0, d1) -> (0)>
#map1 = affine_map<(d0, d1) -> (0, 0)>
module attributes {stable_mosaic.version = 14 : i64} {
  func.func @gather_kernel(%arg0: i32, %arg1: i32, %arg2: memref<16384xi32, #tpu.memory_space<hbm>>, %arg3: memref<16384xi32, #tpu.memory_space<hbm>>, %arg4: memref<1000000x64xf32, #tpu.memory_space<hbm>>, %arg5: memref<1000000x64xf32, #tpu.memory_space<hbm>>, %arg6: memref<16384x64xf32, #tpu.memory_space<hbm>>, %arg7: memref<16384x64xf32, #tpu.memory_space<hbm>>, %arg8: memref<512xi32, #tpu.memory_space<vmem>>, %arg9: memref<512xi32, #tpu.memory_space<vmem>>, %arg10: memref<512x64xf32, #tpu.memory_space<vmem>>, %arg11: memref<!tpu.dma_semaphore, #tpu.memory_space<semaphore_mem>>) attributes {dimension_semantics = [#tpu.dimension_semantics<core_parallel>, #tpu.dimension_semantics<subcore_parallel>], iteration_bounds = array<i64: 2, 16>, scalar_prefetch = 0 : i64, scratch_operands = 4 : i64, tpu.core_type = #tpu.core_type<sc_vector_subcore>, window_params = [{transform_indices = #map}, {transform_indices = #map}, {transform_indices = #map1}, {transform_indices = #map1}, {transform_indices = #map1}, {transform_indices = #map1}]} {
    %mul3A = arith.constant 2 : i32
    %mul3A_0 = arith.muli %arg1, %mul3A : i32
    %add3A = arith.addi %mul3A_0, %arg0 : i32
    %mul3A_1 = arith.constant 512 : i32
    %mul3A_2 = arith.muli %add3A, %mul3A_1 : i32
    "tpu.region"() ({
      %run_scoped3A = tpu.sem_alloc : memref<!tpu.dma_semaphore, #tpu.memory_space<semaphore_mem>>
      %dma_start3A = tpu.memref_slice %arg2[%mul3A_2] : memref<16384xi32, #tpu.memory_space<hbm>> -> memref<512xi32, #tpu.memory_space<hbm>>
      %dma_start3A_22 = tpu.memref_slice %arg2[%mul3A_2] : memref<16384xi32, #tpu.memory_space<hbm>> -> memref<512xi32, #tpu.memory_space<hbm>>
      tpu.enqueue_dma source(%dma_start3A_22 : memref<512xi32, #tpu.memory_space<hbm>>) target(%arg8 : memref<512xi32, #tpu.memory_space<vmem>>) target_semaphore(%run_scoped3A : memref<!tpu.dma_semaphore, #tpu.memory_space<semaphore_mem>>)
      %dma_wait3A = tpu.memref_slice %arg2[%mul3A_2] : memref<16384xi32, #tpu.memory_space<hbm>> -> memref<512xi32, #tpu.memory_space<hbm>>
      %dma_wait3A_23 = tpu.memref_slice %arg2[%mul3A_2] : memref<16384xi32, #tpu.memory_space<hbm>> -> memref<512xi32, #tpu.memory_space<hbm>>
      tpu.wait_dma2 semaphore(%run_scoped3A : memref<!tpu.dma_semaphore, #tpu.memory_space<semaphore_mem>>) src(%dma_wait3A_23 : memref<512xi32, #tpu.memory_space<hbm>>) dst(%arg8 : memref<512xi32, #tpu.memory_space<vmem>>)
      tpu.yield
    }) : () -> ()
    "tpu.region"() ({
      %run_scoped3A = tpu.sem_alloc : memref<!tpu.dma_semaphore, #tpu.memory_space<semaphore_mem>>
      %dma_start3A = tpu.memref_slice %arg3[%mul3A_2] : memref<16384xi32, #tpu.memory_space<hbm>> -> memref<512xi32, #tpu.memory_space<hbm>>
      %dma_start3A_22 = tpu.memref_slice %arg3[%mul3A_2] : memref<16384xi32, #tpu.memory_space<hbm>> -> memref<512xi32, #tpu.memory_space<hbm>>
      tpu.enqueue_dma source(%dma_start3A_22 : memref<512xi32, #tpu.memory_space<hbm>>) target(%arg9 : memref<512xi32, #tpu.memory_space<vmem>>) target_semaphore(%run_scoped3A : memref<!tpu.dma_semaphore, #tpu.memory_space<semaphore_mem>>)
      %dma_wait3A = tpu.memref_slice %arg3[%mul3A_2] : memref<16384xi32, #tpu.memory_space<hbm>> -> memref<512xi32, #tpu.memory_space<hbm>>
      %dma_wait3A_23 = tpu.memref_slice %arg3[%mul3A_2] : memref<16384xi32, #tpu.memory_space<hbm>> -> memref<512xi32, #tpu.memory_space<hbm>>
      tpu.wait_dma2 semaphore(%run_scoped3A : memref<!tpu.dma_semaphore, #tpu.memory_space<semaphore_mem>>) src(%dma_wait3A_23 : memref<512xi32, #tpu.memory_space<hbm>>) dst(%arg9 : memref<512xi32, #tpu.memory_space<vmem>>)
      tpu.yield
    }) : () -> ()
    %scan3A = arith.constant 0 : i32
    %scan3A_3 = arith.constant 32 : i32
    %scan3A_4 = arith.addi %scan3A, %scan3A_3 : i32
    %scan3A_5 = arith.constant 1 : i32
    scf.for %scan3A_22 = %scan3A to %scan3A_4 step %scan3A_5  : i32 {
      %mul3A_23 = arith.constant 16 : i32
      %mul3A_24 = arith.muli %scan3A_22, %mul3A_23 : i32
      %add3A_25 = arith.constant 0 : i32
      %add3A_26 = arith.addi %add3A_25, %mul3A_24 : i32
      %get3A = arith.index_cast %add3A_26 : i32 to index
      %get3A_27 = tpu.vector_load %arg8[%get3A] {strides = array<i32>} : memref<512xi32, #tpu.memory_space<vmem>>, vector<16xi32>,
      %get3A_28 = vector.shape_cast %get3A_27 : vector<16xi32> to vector<16xi32>
      %slice3A = vector.extract_strided_slice %get3A_28 {offsets = [0], sizes = [1], strides = [1]} : vector<16xi32> to vector<1xi32>
      %squeeze3A = vector.extract %slice3A[0] : i32 from vector<1xi32>
      %add3A_29 = arith.constant 0 : i32
      %add3A_30 = arith.addi %add3A_26, %add3A_29 : i32
      %dma_start3A = arith.constant 0 : i32
      %dma_start3A_31 = tpu.memref_slice %arg10[%add3A_30, %dma_start3A] : memref<512x64xf32, #tpu.memory_space<vmem>> -> memref<1x64xf32, #tpu.memory_space<vmem>>
      %dma_start3A_32 = arith.constant 0 : i32
      %dma_start3A_33 = tpu.memref_slice %arg4[%squeeze3A, %dma_start3A_32] : memref<1000000x64xf32, #tpu.memory_space<hbm>> -> memref<1x64xf32, #tpu.memory_space<hbm>>
      %dma_start3A_34 = arith.constant 0 : i32
      %dma_start3A_35 = tpu.memref_slice %arg10[%add3A_30, %dma_start3A_34] : memref<512x64xf32, #tpu.memory_space<vmem>> -> memref<1x64xf32, #tpu.memory_space<vmem>>
      %dma_start3A_36 = arith.constant 0 : i32
      %dma_start3A_37 = tpu.memref_slice %arg4[%squeeze3A, %dma_start3A_36] : memref<1000000x64xf32, #tpu.memory_space<hbm>> -> memref<1x64xf32, #tpu.memory_space<hbm>>
      tpu.enqueue_dma source(%dma_start3A_37 : memref<1x64xf32, #tpu.memory_space<hbm>>) target(%dma_start3A_35 : memref<1x64xf32, #tpu.memory_space<vmem>>) target_semaphore(%arg11 : memref<!tpu.dma_semaphore, #tpu.memory_space<semaphore_mem>>)
      %slice3A_38 = vector.extract_strided_slice %get3A_28 {offsets = [1], sizes = [1], strides = [1]} : vector<16xi32> to vector<1xi32>
      %squeeze3A_39 = vector.extract %slice3A_38[0] : i32 from vector<1xi32>
      %add3A_40 = arith.constant 1 : i32
      %add3A_41 = arith.addi %add3A_26, %add3A_40 : i32
      %dma_start3A_42 = arith.constant 0 : i32
      %dma_start3A_43 = tpu.memref_slice %arg10[%add3A_41, %dma_start3A_42] : memref<512x64xf32, #tpu.memory_space<vmem>> -> memref<1x64xf32, #tpu.memory_space<vmem>>
      %dma_start3A_44 = arith.constant 0 : i32
      %dma_start3A_45 = tpu.memref_slice %arg4[%squeeze3A_39, %dma_start3A_44] : memref<1000000x64xf32, #tpu.memory_space<hbm>> -> memref<1x64xf32, #tpu.memory_space<hbm>>
      %dma_start3A_46 = arith.constant 0 : i32
      %dma_start3A_47 = tpu.memref_slice %arg10[%add3A_41, %dma_start3A_46] : memref<512x64xf32, #tpu.memory_space<vmem>> -> memref<1x64xf32, #tpu.memory_space<vmem>>
      %dma_start3A_48 = arith.constant 0 : i32
      %dma_start3A_49 = tpu.memref_slice %arg4[%squeeze3A_39, %dma_start3A_48] : memref<1000000x64xf32, #tpu.memory_space<hbm>> -> memref<1x64xf32, #tpu.memory_space<hbm>>
      tpu.enqueue_dma source(%dma_start3A_49 : memref<1x64xf32, #tpu.memory_space<hbm>>) target(%dma_start3A_47 : memref<1x64xf32, #tpu.memory_space<vmem>>) target_semaphore(%arg11 : memref<!tpu.dma_semaphore, #tpu.memory_space<semaphore_mem>>)
      %slice3A_50 = vector.extract_strided_slice %get3A_28 {offsets = [2], sizes = [1], strides = [1]} : vector<16xi32> to vector<1xi32>
      %squeeze3A_51 = vector.extract %slice3A_50[0] : i32 from vector<1xi32>
      %add3A_52 = arith.constant 2 : i32
      %add3A_53 = arith.addi %add3A_26, %add3A_52 : i32
      %dma_start3A_54 = arith.constant 0 : i32
      %dma_start3A_55 = tpu.memref_slice %arg10[%add3A_53, %dma_start3A_54] : memref<512x64xf32, #tpu.memory_space<vmem>> -> memref<1x64xf32, #tpu.memory_space<vmem>>
      %dma_start3A_56 = arith.constant 0 : i32
      %dma_start3A_57 = tpu.memref_slice %arg4[%squeeze3A_51, %dma_start3A_56] : memref<1000000x64xf32, #tpu.memory_space<hbm>> -> memref<1x64xf32, #tpu.memory_space<hbm>>
      %dma_start3A_58 = arith.constant 0 : i32
      %dma_start3A_59 = tpu.memref_slice %arg10[%add3A_53, %dma_start3A_58] : memref<512x64xf32, #tpu.memory_space<vmem>> -> memref<1x64xf32, #tpu.memory_space<vmem>>
      %dma_start3A_60 = arith.constant 0 : i32
      %dma_start3A_61 = tpu.memref_slice %arg4[%squeeze3A_51, %dma_start3A_60] : memref<1000000x64xf32, #tpu.memory_space<hbm>> -> memref<1x64xf32, #tpu.memory_space<hbm>>
      tpu.enqueue_dma source(%dma_start3A_61 : memref<1x64xf32, #tpu.memory_space<hbm>>) target(%dma_start3A_59 : memref<1x64xf32, #tpu.memory_space<vmem>>) target_semaphore(%arg11 : memref<!tpu.dma_semaphore, #tpu.memory_space<semaphore_mem>>)
      %slice3A_62 = vector.extract_strided_slice %get3A_28 {offsets = [3], sizes = [1], strides = [1]} : vector<16xi32> to vector<1xi32>
      %squeeze3A_63 = vector.extract %slice3A_62[0] : i32 from vector<1xi32>
      %add3A_64 = arith.constant 3 : i32
      %add3A_65 = arith.addi %add3A_26, %add3A_64 : i32
      %dma_start3A_66 = arith.constant 0 : i32
      %dma_start3A_67 = tpu.memref_slice %arg10[%add3A_65, %dma_start3A_66] : memref<512x64xf32, #tpu.memory_space<vmem>> -> memref<1x64xf32, #tpu.memory_space<vmem>>
      %dma_start3A_68 = arith.constant 0 : i32
      %dma_start3A_69 = tpu.memref_slice %arg4[%squeeze3A_63, %dma_start3A_68] : memref<1000000x64xf32, #tpu.memory_space<hbm>> -> memref<1x64xf32, #tpu.memory_space<hbm>>
      %dma_start3A_70 = arith.constant 0 : i32
      %dma_start3A_71 = tpu.memref_slice %arg10[%add3A_65, %dma_start3A_70] : memref<512x64xf32, #tpu.memory_space<vmem>> -> memref<1x64xf32, #tpu.memory_space<vmem>>
      %dma_start3A_72 = arith.constant 0 : i32
      %dma_start3A_73 = tpu.memref_slice %arg4[%squeeze3A_63, %dma_start3A_72] : memref<1000000x64xf32, #tpu.memory_space<hbm>> -> memref<1x64xf32, #tpu.memory_space<hbm>>
      tpu.enqueue_dma source(%dma_start3A_73 : memref<1x64xf32, #tpu.memory_space<hbm>>) target(%dma_start3A_71 : memref<1x64xf32, #tpu.memory_space<vmem>>) target_semaphore(%arg11 : memref<!tpu.dma_semaphore, #tpu.memory_space<semaphore_mem>>)
      %slice3A_74 = vector.extract_strided_slice %get3A_28 {offsets = [4], sizes = [1], strides = [1]} : vector<16xi32> to vector<1xi32>
      %squeeze3A_75 = vector.extract %slice3A_74[0] : i32 from vector<1xi32>
      %add3A_76 = arith.constant 4 : i32
      %add3A_77 = arith.addi %add3A_26, %add3A_76 : i32
      %dma_start3A_78 = arith.constant 0 : i32
      %dma_start3A_79 = tpu.memref_slice %arg10[%add3A_77, %dma_start3A_78] : memref<512x64xf32, #tpu.memory_space<vmem>> -> memref<1x64xf32, #tpu.memory_space<vmem>>
      %dma_start3A_80 = arith.constant 0 : i32
      %dma_start3A_81 = tpu.memref_slice %arg4[%squeeze3A_75, %dma_start3A_80] : memref<1000000x64xf32, #tpu.memory_space<hbm>> -> memref<1x64xf32, #tpu.memory_space<hbm>>
      %dma_start3A_82 = arith.constant 0 : i32
      %dma_start3A_83 = tpu.memref_slice %arg10[%add3A_77, %dma_start3A_82] : memref<512x64xf32, #tpu.memory_space<vmem>> -> memref<1x64xf32, #tpu.memory_space<vmem>>
      %dma_start3A_84 = arith.constant 0 : i32
      %dma_start3A_85 = tpu.memref_slice %arg4[%squeeze3A_75, %dma_start3A_84] : memref<1000000x64xf32, #tpu.memory_space<hbm>> -> memref<1x64xf32, #tpu.memory_space<hbm>>
      tpu.enqueue_dma source(%dma_start3A_85 : memref<1x64xf32, #tpu.memory_space<hbm>>) target(%dma_start3A_83 : memref<1x64xf32, #tpu.memory_space<vmem>>) target_semaphore(%arg11 : memref<!tpu.dma_semaphore, #tpu.memory_space<semaphore_mem>>)
      %slice3A_86 = vector.extract_strided_slice %get3A_28 {offsets = [5], sizes = [1], strides = [1]} : vector<16xi32> to vector<1xi32>
      %squeeze3A_87 = vector.extract %slice3A_86[0] : i32 from vector<1xi32>
      %add3A_88 = arith.constant 5 : i32
      %add3A_89 = arith.addi %add3A_26, %add3A_88 : i32
      %dma_start3A_90 = arith.constant 0 : i32
      %dma_start3A_91 = tpu.memref_slice %arg10[%add3A_89, %dma_start3A_90] : memref<512x64xf32, #tpu.memory_space<vmem>> -> memref<1x64xf32, #tpu.memory_space<vmem>>
      %dma_start3A_92 = arith.constant 0 : i32
      %dma_start3A_93 = tpu.memref_slice %arg4[%squeeze3A_87, %dma_start3A_92] : memref<1000000x64xf32, #tpu.memory_space<hbm>> -> memref<1x64xf32, #tpu.memory_space<hbm>>
      %dma_start3A_94 = arith.constant 0 : i32
      %dma_start3A_95 = tpu.memref_slice %arg10[%add3A_89, %dma_start3A_94] : memref<512x64xf32, #tpu.memory_space<vmem>> -> memref<1x64xf32, #tpu.memory_space<vmem>>
      %dma_start3A_96 = arith.constant 0 : i32
      %dma_start3A_97 = tpu.memref_slice %arg4[%squeeze3A_87, %dma_start3A_96] : memref<1000000x64xf32, #tpu.memory_space<hbm>> -> memref<1x64xf32, #tpu.memory_space<hbm>>
      tpu.enqueue_dma source(%dma_start3A_97 : memref<1x64xf32, #tpu.memory_space<hbm>>) target(%dma_start3A_95 : memref<1x64xf32, #tpu.memory_space<vmem>>) target_semaphore(%arg11 : memref<!tpu.dma_semaphore, #tpu.memory_space<semaphore_mem>>)
      %slice3A_98 = vector.extract_strided_slice %get3A_28 {offsets = [6], sizes = [1], strides = [1]} : vector<16xi32> to vector<1xi32>
      %squeeze3A_99 = vector.extract %slice3A_98[0] : i32 from vector<1xi32>
      %add3A_100 = arith.constant 6 : i32
      %add3A_101 = arith.addi %add3A_26, %add3A_100 : i32
      %dma_start3A_102 = arith.constant 0 : i32
      %dma_start3A_103 = tpu.memref_slice %arg10[%add3A_101, %dma_start3A_102] : memref<512x64xf32, #tpu.memory_space<vmem>> -> memref<1x64xf32, #tpu.memory_space<vmem>>
      %dma_start3A_104 = arith.constant 0 : i32
      %dma_start3A_105 = tpu.memref_slice %arg4[%squeeze3A_99, %dma_start3A_104] : memref<1000000x64xf32, #tpu.memory_space<hbm>> -> memref<1x64xf32, #tpu.memory_space<hbm>>
      %dma_start3A_106 = arith.constant 0 : i32
      %dma_start3A_107 = tpu.memref_slice %arg10[%add3A_101, %dma_start3A_106] : memref<512x64xf32, #tpu.memory_space<vmem>> -> memref<1x64xf32, #tpu.memory_space<vmem>>
      %dma_start3A_108 = arith.constant 0 : i32
      %dma_start3A_109 = tpu.memref_slice %arg4[%squeeze3A_99, %dma_start3A_108] : memref<1000000x64xf32, #tpu.memory_space<hbm>> -> memref<1x64xf32, #tpu.memory_space<hbm>>
      tpu.enqueue_dma source(%dma_start3A_109 : memref<1x64xf32, #tpu.memory_space<hbm>>) target(%dma_start3A_107 : memref<1x64xf32, #tpu.memory_space<vmem>>) target_semaphore(%arg11 : memref<!tpu.dma_semaphore, #tpu.memory_space<semaphore_mem>>)
      %slice3A_110 = vector.extract_strided_slice %get3A_28 {offsets = [7], sizes = [1], strides = [1]} : vector<16xi32> to vector<1xi32>
      %squeeze3A_111 = vector.extract %slice3A_110[0] : i32 from vector<1xi32>
      %add3A_112 = arith.constant 7 : i32
      %add3A_113 = arith.addi %add3A_26, %add3A_112 : i32
      %dma_start3A_114 = arith.constant 0 : i32
      %dma_start3A_115 = tpu.memref_slice %arg10[%add3A_113, %dma_start3A_114] : memref<512x64xf32, #tpu.memory_space<vmem>> -> memref<1x64xf32, #tpu.memory_space<vmem>>
      %dma_start3A_116 = arith.constant 0 : i32
      %dma_start3A_117 = tpu.memref_slice %arg4[%squeeze3A_111, %dma_start3A_116] : memref<1000000x64xf32, #tpu.memory_space<hbm>> -> memref<1x64xf32, #tpu.memory_space<hbm>>
      %dma_start3A_118 = arith.constant 0 : i32
      %dma_start3A_119 = tpu.memref_slice %arg10[%add3A_113, %dma_start3A_118] : memref<512x64xf32, #tpu.memory_space<vmem>> -> memref<1x64xf32, #tpu.memory_space<vmem>>
      %dma_start3A_120 = arith.constant 0 : i32
      %dma_start3A_121 = tpu.memref_slice %arg4[%squeeze3A_111, %dma_start3A_120] : memref<1000000x64xf32, #tpu.memory_space<hbm>> -> memref<1x64xf32, #tpu.memory_space<hbm>>
      tpu.enqueue_dma source(%dma_start3A_121 : memref<1x64xf32, #tpu.memory_space<hbm>>) target(%dma_start3A_119 : memref<1x64xf32, #tpu.memory_space<vmem>>) target_semaphore(%arg11 : memref<!tpu.dma_semaphore, #tpu.memory_space<semaphore_mem>>)
      %slice3A_122 = vector.extract_strided_slice %get3A_28 {offsets = [8], sizes = [1], strides = [1]} : vector<16xi32> to vector<1xi32>
      %squeeze3A_123 = vector.extract %slice3A_122[0] : i32 from vector<1xi32>
      %add3A_124 = arith.constant 8 : i32
      %add3A_125 = arith.addi %add3A_26, %add3A_124 : i32
      %dma_start3A_126 = arith.constant 0 : i32
      %dma_start3A_127 = tpu.memref_slice %arg10[%add3A_125, %dma_start3A_126] : memref<512x64xf32, #tpu.memory_space<vmem>> -> memref<1x64xf32, #tpu.memory_space<vmem>>
      %dma_start3A_128 = arith.constant 0 : i32
      %dma_start3A_129 = tpu.memref_slice %arg4[%squeeze3A_123, %dma_start3A_128] : memref<1000000x64xf32, #tpu.memory_space<hbm>> -> memref<1x64xf32, #tpu.memory_space<hbm>>
      %dma_start3A_130 = arith.constant 0 : i32
      %dma_start3A_131 = tpu.memref_slice %arg10[%add3A_125, %dma_start3A_130] : memref<512x64xf32, #tpu.memory_space<vmem>> -> memref<1x64xf32, #tpu.memory_space<vmem>>
      %dma_start3A_132 = arith.constant 0 : i32
      %dma_start3A_133 = tpu.memref_slice %arg4[%squeeze3A_123, %dma_start3A_132] : memref<1000000x64xf32, #tpu.memory_space<hbm>> -> memref<1x64xf32, #tpu.memory_space<hbm>>
      tpu.enqueue_dma source(%dma_start3A_133 : memref<1x64xf32, #tpu.memory_space<hbm>>) target(%dma_start3A_131 : memref<1x64xf32, #tpu.memory_space<vmem>>) target_semaphore(%arg11 : memref<!tpu.dma_semaphore, #tpu.memory_space<semaphore_mem>>)
      %slice3A_134 = vector.extract_strided_slice %get3A_28 {offsets = [9], sizes = [1], strides = [1]} : vector<16xi32> to vector<1xi32>
      %squeeze3A_135 = vector.extract %slice3A_134[0] : i32 from vector<1xi32>
      %add3A_136 = arith.constant 9 : i32
      %add3A_137 = arith.addi %add3A_26, %add3A_136 : i32
      %dma_start3A_138 = arith.constant 0 : i32
      %dma_start3A_139 = tpu.memref_slice %arg10[%add3A_137, %dma_start3A_138] : memref<512x64xf32, #tpu.memory_space<vmem>> -> memref<1x64xf32, #tpu.memory_space<vmem>>
      %dma_start3A_140 = arith.constant 0 : i32
      %dma_start3A_141 = tpu.memref_slice %arg4[%squeeze3A_135, %dma_start3A_140] : memref<1000000x64xf32, #tpu.memory_space<hbm>> -> memref<1x64xf32, #tpu.memory_space<hbm>>
      %dma_start3A_142 = arith.constant 0 : i32
      %dma_start3A_143 = tpu.memref_slice %arg10[%add3A_137, %dma_start3A_142] : memref<512x64xf32, #tpu.memory_space<vmem>> -> memref<1x64xf32, #tpu.memory_space<vmem>>
      %dma_start3A_144 = arith.constant 0 : i32
      %dma_start3A_145 = tpu.memref_slice %arg4[%squeeze3A_135, %dma_start3A_144] : memref<1000000x64xf32, #tpu.memory_space<hbm>> -> memref<1x64xf32, #tpu.memory_space<hbm>>
      tpu.enqueue_dma source(%dma_start3A_145 : memref<1x64xf32, #tpu.memory_space<hbm>>) target(%dma_start3A_143 : memref<1x64xf32, #tpu.memory_space<vmem>>) target_semaphore(%arg11 : memref<!tpu.dma_semaphore, #tpu.memory_space<semaphore_mem>>)
      %slice3A_146 = vector.extract_strided_slice %get3A_28 {offsets = [10], sizes = [1], strides = [1]} : vector<16xi32> to vector<1xi32>
      %squeeze3A_147 = vector.extract %slice3A_146[0] : i32 from vector<1xi32>
      %add3A_148 = arith.constant 10 : i32
      %add3A_149 = arith.addi %add3A_26, %add3A_148 : i32
      %dma_start3A_150 = arith.constant 0 : i32
      %dma_start3A_151 = tpu.memref_slice %arg10[%add3A_149, %dma_start3A_150] : memref<512x64xf32, #tpu.memory_space<vmem>> -> memref<1x64xf32, #tpu.memory_space<vmem>>
      %dma_start3A_152 = arith.constant 0 : i32
      %dma_start3A_153 = tpu.memref_slice %arg4[%squeeze3A_147, %dma_start3A_152] : memref<1000000x64xf32, #tpu.memory_space<hbm>> -> memref<1x64xf32, #tpu.memory_space<hbm>>
      %dma_start3A_154 = arith.constant 0 : i32
      %dma_start3A_155 = tpu.memref_slice %arg10[%add3A_149, %dma_start3A_154] : memref<512x64xf32, #tpu.memory_space<vmem>> -> memref<1x64xf32, #tpu.memory_space<vmem>>
      %dma_start3A_156 = arith.constant 0 : i32
      %dma_start3A_157 = tpu.memref_slice %arg4[%squeeze3A_147, %dma_start3A_156] : memref<1000000x64xf32, #tpu.memory_space<hbm>> -> memref<1x64xf32, #tpu.memory_space<hbm>>
      tpu.enqueue_dma source(%dma_start3A_157 : memref<1x64xf32, #tpu.memory_space<hbm>>) target(%dma_start3A_155 : memref<1x64xf32, #tpu.memory_space<vmem>>) target_semaphore(%arg11 : memref<!tpu.dma_semaphore, #tpu.memory_space<semaphore_mem>>)
      %slice3A_158 = vector.extract_strided_slice %get3A_28 {offsets = [11], sizes = [1], strides = [1]} : vector<16xi32> to vector<1xi32>
      %squeeze3A_159 = vector.extract %slice3A_158[0] : i32 from vector<1xi32>
      %add3A_160 = arith.constant 11 : i32
      %add3A_161 = arith.addi %add3A_26, %add3A_160 : i32
      %dma_start3A_162 = arith.constant 0 : i32
      %dma_start3A_163 = tpu.memref_slice %arg10[%add3A_161, %dma_start3A_162] : memref<512x64xf32, #tpu.memory_space<vmem>> -> memref<1x64xf32, #tpu.memory_space<vmem>>
      %dma_start3A_164 = arith.constant 0 : i32
      %dma_start3A_165 = tpu.memref_slice %arg4[%squeeze3A_159, %dma_start3A_164] : memref<1000000x64xf32, #tpu.memory_space<hbm>> -> memref<1x64xf32, #tpu.memory_space<hbm>>
      %dma_start3A_166 = arith.constant 0 : i32
      %dma_start3A_167 = tpu.memref_slice %arg10[%add3A_161, %dma_start3A_166] : memref<512x64xf32, #tpu.memory_space<vmem>> -> memref<1x64xf32, #tpu.memory_space<vmem>>
      %dma_start3A_168 = arith.constant 0 : i32
      %dma_start3A_169 = tpu.memref_slice %arg4[%squeeze3A_159, %dma_start3A_168] : memref<1000000x64xf32, #tpu.memory_space<hbm>> -> memref<1x64xf32, #tpu.memory_space<hbm>>
      tpu.enqueue_dma source(%dma_start3A_169 : memref<1x64xf32, #tpu.memory_space<hbm>>) target(%dma_start3A_167 : memref<1x64xf32, #tpu.memory_space<vmem>>) target_semaphore(%arg11 : memref<!tpu.dma_semaphore, #tpu.memory_space<semaphore_mem>>)
      %slice3A_170 = vector.extract_strided_slice %get3A_28 {offsets = [12], sizes = [1], strides = [1]} : vector<16xi32> to vector<1xi32>
      %squeeze3A_171 = vector.extract %slice3A_170[0] : i32 from vector<1xi32>
      %add3A_172 = arith.constant 12 : i32
      %add3A_173 = arith.addi %add3A_26, %add3A_172 : i32
      %dma_start3A_174 = arith.constant 0 : i32
      %dma_start3A_175 = tpu.memref_slice %arg10[%add3A_173, %dma_start3A_174] : memref<512x64xf32, #tpu.memory_space<vmem>> -> memref<1x64xf32, #tpu.memory_space<vmem>>
      %dma_start3A_176 = arith.constant 0 : i32
      %dma_start3A_177 = tpu.memref_slice %arg4[%squeeze3A_171, %dma_start3A_176] : memref<1000000x64xf32, #tpu.memory_space<hbm>> -> memref<1x64xf32, #tpu.memory_space<hbm>>
      %dma_start3A_178 = arith.constant 0 : i32
      %dma_start3A_179 = tpu.memref_slice %arg10[%add3A_173, %dma_start3A_178] : memref<512x64xf32, #tpu.memory_space<vmem>> -> memref<1x64xf32, #tpu.memory_space<vmem>>
      %dma_start3A_180 = arith.constant 0 : i32
      %dma_start3A_181 = tpu.memref_slice %arg4[%squeeze3A_171, %dma_start3A_180] : memref<1000000x64xf32, #tpu.memory_space<hbm>> -> memref<1x64xf32, #tpu.memory_space<hbm>>
      tpu.enqueue_dma source(%dma_start3A_181 : memref<1x64xf32, #tpu.memory_space<hbm>>) target(%dma_start3A_179 : memref<1x64xf32, #tpu.memory_space<vmem>>) target_semaphore(%arg11 : memref<!tpu.dma_semaphore, #tpu.memory_space<semaphore_mem>>)
      %slice3A_182 = vector.extract_strided_slice %get3A_28 {offsets = [13], sizes = [1], strides = [1]} : vector<16xi32> to vector<1xi32>
      %squeeze3A_183 = vector.extract %slice3A_182[0] : i32 from vector<1xi32>
      %add3A_184 = arith.constant 13 : i32
      %add3A_185 = arith.addi %add3A_26, %add3A_184 : i32
      %dma_start3A_186 = arith.constant 0 : i32
      %dma_start3A_187 = tpu.memref_slice %arg10[%add3A_185, %dma_start3A_186] : memref<512x64xf32, #tpu.memory_space<vmem>> -> memref<1x64xf32, #tpu.memory_space<vmem>>
      %dma_start3A_188 = arith.constant 0 : i32
      %dma_start3A_189 = tpu.memref_slice %arg4[%squeeze3A_183, %dma_start3A_188] : memref<1000000x64xf32, #tpu.memory_space<hbm>> -> memref<1x64xf32, #tpu.memory_space<hbm>>
      %dma_start3A_190 = arith.constant 0 : i32
      %dma_start3A_191 = tpu.memref_slice %arg10[%add3A_185, %dma_start3A_190] : memref<512x64xf32, #tpu.memory_space<vmem>> -> memref<1x64xf32, #tpu.memory_space<vmem>>
      %dma_start3A_192 = arith.constant 0 : i32
      %dma_start3A_193 = tpu.memref_slice %arg4[%squeeze3A_183, %dma_start3A_192] : memref<1000000x64xf32, #tpu.memory_space<hbm>> -> memref<1x64xf32, #tpu.memory_space<hbm>>
      tpu.enqueue_dma source(%dma_start3A_193 : memref<1x64xf32, #tpu.memory_space<hbm>>) target(%dma_start3A_191 : memref<1x64xf32, #tpu.memory_space<vmem>>) target_semaphore(%arg11 : memref<!tpu.dma_semaphore, #tpu.memory_space<semaphore_mem>>)
      %slice3A_194 = vector.extract_strided_slice %get3A_28 {offsets = [14], sizes = [1], strides = [1]} : vector<16xi32> to vector<1xi32>
      %squeeze3A_195 = vector.extract %slice3A_194[0] : i32 from vector<1xi32>
      %add3A_196 = arith.constant 14 : i32
      %add3A_197 = arith.addi %add3A_26, %add3A_196 : i32
      %dma_start3A_198 = arith.constant 0 : i32
      %dma_start3A_199 = tpu.memref_slice %arg10[%add3A_197, %dma_start3A_198] : memref<512x64xf32, #tpu.memory_space<vmem>> -> memref<1x64xf32, #tpu.memory_space<vmem>>
      %dma_start3A_200 = arith.constant 0 : i32
      %dma_start3A_201 = tpu.memref_slice %arg4[%squeeze3A_195, %dma_start3A_200] : memref<1000000x64xf32, #tpu.memory_space<hbm>> -> memref<1x64xf32, #tpu.memory_space<hbm>>
      %dma_start3A_202 = arith.constant 0 : i32
      %dma_start3A_203 = tpu.memref_slice %arg10[%add3A_197, %dma_start3A_202] : memref<512x64xf32, #tpu.memory_space<vmem>> -> memref<1x64xf32, #tpu.memory_space<vmem>>
      %dma_start3A_204 = arith.constant 0 : i32
      %dma_start3A_205 = tpu.memref_slice %arg4[%squeeze3A_195, %dma_start3A_204] : memref<1000000x64xf32, #tpu.memory_space<hbm>> -> memref<1x64xf32, #tpu.memory_space<hbm>>
      tpu.enqueue_dma source(%dma_start3A_205 : memref<1x64xf32, #tpu.memory_space<hbm>>) target(%dma_start3A_203 : memref<1x64xf32, #tpu.memory_space<vmem>>) target_semaphore(%arg11 : memref<!tpu.dma_semaphore, #tpu.memory_space<semaphore_mem>>)
      %slice3A_206 = vector.extract_strided_slice %get3A_28 {offsets = [15], sizes = [1], strides = [1]} : vector<16xi32> to vector<1xi32>
      %squeeze3A_207 = vector.extract %slice3A_206[0] : i32 from vector<1xi32>
      %add3A_208 = arith.constant 15 : i32
      %add3A_209 = arith.addi %add3A_26, %add3A_208 : i32
      %dma_start3A_210 = arith.constant 0 : i32
      %dma_start3A_211 = tpu.memref_slice %arg10[%add3A_209, %dma_start3A_210] : memref<512x64xf32, #tpu.memory_space<vmem>> -> memref<1x64xf32, #tpu.memory_space<vmem>>
      %dma_start3A_212 = arith.constant 0 : i32
      %dma_start3A_213 = tpu.memref_slice %arg4[%squeeze3A_207, %dma_start3A_212] : memref<1000000x64xf32, #tpu.memory_space<hbm>> -> memref<1x64xf32, #tpu.memory_space<hbm>>
      %dma_start3A_214 = arith.constant 0 : i32
      %dma_start3A_215 = tpu.memref_slice %arg10[%add3A_209, %dma_start3A_214] : memref<512x64xf32, #tpu.memory_space<vmem>> -> memref<1x64xf32, #tpu.memory_space<vmem>>
      %dma_start3A_216 = arith.constant 0 : i32
      %dma_start3A_217 = tpu.memref_slice %arg4[%squeeze3A_207, %dma_start3A_216] : memref<1000000x64xf32, #tpu.memory_space<hbm>> -> memref<1x64xf32, #tpu.memory_space<hbm>>
      tpu.enqueue_dma source(%dma_start3A_217 : memref<1x64xf32, #tpu.memory_space<hbm>>) target(%dma_start3A_215 : memref<1x64xf32, #tpu.memory_space<vmem>>) target_semaphore(%arg11 : memref<!tpu.dma_semaphore, #tpu.memory_space<semaphore_mem>>)
    }
    %scan3A_6 = arith.constant 32 : i32
    %scan3A_7 = arith.constant 0 : i32
    %scan3A_8 = arith.constant 4 : i32
    %scan3A_9 = arith.addi %scan3A_7, %scan3A_8 : i32
    %scan3A_10 = arith.constant 1 : i32
    scf.for %scan3A_22 = %scan3A_7 to %scan3A_9 step %scan3A_10  : i32 {
      %mul3A_23 = arith.constant 128 : i32
      %mul3A_24 = arith.muli %scan3A_22, %mul3A_23 : i32
      %add3A_25 = arith.constant 0 : i32
      %add3A_26 = arith.addi %add3A_25, %mul3A_24 : i32
      %dma_wait3A = arith.constant 0 : i32
      %dma_wait3A_27 = tpu.memref_slice %arg10[%add3A_26, %dma_wait3A] : memref<512x64xf32, #tpu.memory_space<vmem>> -> memref<128x64xf32, #tpu.memory_space<vmem>>
      %dma_wait3A_28 = arith.constant 0 : i32
      %dma_wait3A_29 = arith.constant 0 : i32
      %dma_wait3A_30 = tpu.memref_slice %arg4[%dma_wait3A_28, %dma_wait3A_29] : memref<1000000x64xf32, #tpu.memory_space<hbm>> -> memref<128x64xf32, #tpu.memory_space<hbm>>
      %dma_wait3A_31 = arith.constant 0 : i32
      %dma_wait3A_32 = tpu.memref_slice %arg10[%add3A_26, %dma_wait3A_31] : memref<512x64xf32, #tpu.memory_space<vmem>> -> memref<128x64xf32, #tpu.memory_space<vmem>>
      %dma_wait3A_33 = arith.constant 0 : i32
      %dma_wait3A_34 = arith.constant 0 : i32
      %dma_wait3A_35 = tpu.memref_slice %arg4[%dma_wait3A_33, %dma_wait3A_34] : memref<1000000x64xf32, #tpu.memory_space<hbm>> -> memref<128x64xf32, #tpu.memory_space<hbm>>
      tpu.wait_dma2 semaphore(%arg11 : memref<!tpu.dma_semaphore, #tpu.memory_space<semaphore_mem>>) src(%dma_wait3A_35 : memref<128x64xf32, #tpu.memory_space<hbm>>) dst(%dma_wait3A_32 : memref<128x64xf32, #tpu.memory_space<vmem>>)
    }
    %scan3A_11 = arith.constant 4 : i32
    "tpu.region"() ({
      %run_scoped3A = tpu.sem_alloc : memref<!tpu.dma_semaphore, #tpu.memory_space<semaphore_mem>>
      %dma_start3A = arith.constant 0 : i32
      %dma_start3A_22 = tpu.memref_slice %arg6[%mul3A_2, %dma_start3A] : memref<16384x64xf32, #tpu.memory_space<hbm>> -> memref<512x64xf32, #tpu.memory_space<hbm>>
      %dma_start3A_23 = arith.constant 0 : i32
      %dma_start3A_24 = tpu.memref_slice %arg6[%mul3A_2, %dma_start3A_23] : memref<16384x64xf32, #tpu.memory_space<hbm>> -> memref<512x64xf32, #tpu.memory_space<hbm>>
      tpu.enqueue_dma source(%arg10 : memref<512x64xf32, #tpu.memory_space<vmem>>) target(%dma_start3A_24 : memref<512x64xf32, #tpu.memory_space<hbm>>) target_semaphore(%run_scoped3A : memref<!tpu.dma_semaphore, #tpu.memory_space<semaphore_mem>>)
      %dma_wait3A = arith.constant 0 : i32
      %dma_wait3A_25 = tpu.memref_slice %arg6[%mul3A_2, %dma_wait3A] : memref<16384x64xf32, #tpu.memory_space<hbm>> -> memref<512x64xf32, #tpu.memory_space<hbm>>
      %dma_wait3A_26 = arith.constant 0 : i32
      %dma_wait3A_27 = tpu.memref_slice %arg6[%mul3A_2, %dma_wait3A_26] : memref<16384x64xf32, #tpu.memory_space<hbm>> -> memref<512x64xf32, #tpu.memory_space<hbm>>
      tpu.wait_dma2 semaphore(%run_scoped3A : memref<!tpu.dma_semaphore, #tpu.memory_space<semaphore_mem>>) src(%arg10 : memref<512x64xf32, #tpu.memory_space<vmem>>) dst(%dma_wait3A_27 : memref<512x64xf32, #tpu.memory_space<hbm>>)
      tpu.yield
    }) : () -> ()
    %scan3A_12 = arith.constant 0 : i32
    %scan3A_13 = arith.constant 32 : i32
    %scan3A_14 = arith.addi %scan3A_12, %scan3A_13 : i32
    %scan3A_15 = arith.constant 1 : i32
    scf.for %scan3A_22 = %scan3A_12 to %scan3A_14 step %scan3A_15  : i32 {
      %mul3A_23 = arith.constant 16 : i32
      %mul3A_24 = arith.muli %scan3A_22, %mul3A_23 : i32
      %add3A_25 = arith.constant 0 : i32
      %add3A_26 = arith.addi %add3A_25, %mul3A_24 : i32
      %get3A = arith.index_cast %add3A_26 : i32 to index
      %get3A_27 = tpu.vector_load %arg9[%get3A] {strides = array<i32>} : memref<512xi32, #tpu.memory_space<vmem>>, vector<16xi32>,
      %get3A_28 = vector.shape_cast %get3A_27 : vector<16xi32> to vector<16xi32>
      %slice3A = vector.extract_strided_slice %get3A_28 {offsets = [0], sizes = [1], strides = [1]} : vector<16xi32> to vector<1xi32>
      %squeeze3A = vector.extract %slice3A[0] : i32 from vector<1xi32>
      %add3A_29 = arith.constant 0 : i32
      %add3A_30 = arith.addi %add3A_26, %add3A_29 : i32
      %dma_start3A = arith.constant 0 : i32
      %dma_start3A_31 = tpu.memref_slice %arg10[%add3A_30, %dma_start3A] : memref<512x64xf32, #tpu.memory_space<vmem>> -> memref<1x64xf32, #tpu.memory_space<vmem>>
      %dma_start3A_32 = arith.constant 0 : i32
      %dma_start3A_33 = tpu.memref_slice %arg5[%squeeze3A, %dma_start3A_32] : memref<1000000x64xf32, #tpu.memory_space<hbm>> -> memref<1x64xf32, #tpu.memory_space<hbm>>
      %dma_start3A_34 = arith.constant 0 : i32
      %dma_start3A_35 = tpu.memref_slice %arg10[%add3A_30, %dma_start3A_34] : memref<512x64xf32, #tpu.memory_space<vmem>> -> memref<1x64xf32, #tpu.memory_space<vmem>>
      %dma_start3A_36 = arith.constant 0 : i32
      %dma_start3A_37 = tpu.memref_slice %arg5[%squeeze3A, %dma_start3A_36] : memref<1000000x64xf32, #tpu.memory_space<hbm>> -> memref<1x64xf32, #tpu.memory_space<hbm>>
      tpu.enqueue_dma source(%dma_start3A_37 : memref<1x64xf32, #tpu.memory_space<hbm>>) target(%dma_start3A_35 : memref<1x64xf32, #tpu.memory_space<vmem>>) target_semaphore(%arg11 : memref<!tpu.dma_semaphore, #tpu.memory_space<semaphore_mem>>)
      %slice3A_38 = vector.extract_strided_slice %get3A_28 {offsets = [1], sizes = [1], strides = [1]} : vector<16xi32> to vector<1xi32>
      %squeeze3A_39 = vector.extract %slice3A_38[0] : i32 from vector<1xi32>
      %add3A_40 = arith.constant 1 : i32
      %add3A_41 = arith.addi %add3A_26, %add3A_40 : i32
      %dma_start3A_42 = arith.constant 0 : i32
      %dma_start3A_43 = tpu.memref_slice %arg10[%add3A_41, %dma_start3A_42] : memref<512x64xf32, #tpu.memory_space<vmem>> -> memref<1x64xf32, #tpu.memory_space<vmem>>
      %dma_start3A_44 = arith.constant 0 : i32
      %dma_start3A_45 = tpu.memref_slice %arg5[%squeeze3A_39, %dma_start3A_44] : memref<1000000x64xf32, #tpu.memory_space<hbm>> -> memref<1x64xf32, #tpu.memory_space<hbm>>
      %dma_start3A_46 = arith.constant 0 : i32
      %dma_start3A_47 = tpu.memref_slice %arg10[%add3A_41, %dma_start3A_46] : memref<512x64xf32, #tpu.memory_space<vmem>> -> memref<1x64xf32, #tpu.memory_space<vmem>>
      %dma_start3A_48 = arith.constant 0 : i32
      %dma_start3A_49 = tpu.memref_slice %arg5[%squeeze3A_39, %dma_start3A_48] : memref<1000000x64xf32, #tpu.memory_space<hbm>> -> memref<1x64xf32, #tpu.memory_space<hbm>>
      tpu.enqueue_dma source(%dma_start3A_49 : memref<1x64xf32, #tpu.memory_space<hbm>>) target(%dma_start3A_47 : memref<1x64xf32, #tpu.memory_space<vmem>>) target_semaphore(%arg11 : memref<!tpu.dma_semaphore, #tpu.memory_space<semaphore_mem>>)
      %slice3A_50 = vector.extract_strided_slice %get3A_28 {offsets = [2], sizes = [1], strides = [1]} : vector<16xi32> to vector<1xi32>
      %squeeze3A_51 = vector.extract %slice3A_50[0] : i32 from vector<1xi32>
      %add3A_52 = arith.constant 2 : i32
      %add3A_53 = arith.addi %add3A_26, %add3A_52 : i32
      %dma_start3A_54 = arith.constant 0 : i32
      %dma_start3A_55 = tpu.memref_slice %arg10[%add3A_53, %dma_start3A_54] : memref<512x64xf32, #tpu.memory_space<vmem>> -> memref<1x64xf32, #tpu.memory_space<vmem>>
      %dma_start3A_56 = arith.constant 0 : i32
      %dma_start3A_57 = tpu.memref_slice %arg5[%squeeze3A_51, %dma_start3A_56] : memref<1000000x64xf32, #tpu.memory_space<hbm>> -> memref<1x64xf32, #tpu.memory_space<hbm>>
      %dma_start3A_58 = arith.constant 0 : i32
      %dma_start3A_59 = tpu.memref_slice %arg10[%add3A_53, %dma_start3A_58] : memref<512x64xf32, #tpu.memory_space<vmem>> -> memref<1x64xf32, #tpu.memory_space<vmem>>
      %dma_start3A_60 = arith.constant 0 : i32
      %dma_start3A_61 = tpu.memref_slice %arg5[%squeeze3A_51, %dma_start3A_60] : memref<1000000x64xf32, #tpu.memory_space<hbm>> -> memref<1x64xf32, #tpu.memory_space<hbm>>
      tpu.enqueue_dma source(%dma_start3A_61 : memref<1x64xf32, #tpu.memory_space<hbm>>) target(%dma_start3A_59 : memref<1x64xf32, #tpu.memory_space<vmem>>) target_semaphore(%arg11 : memref<!tpu.dma_semaphore, #tpu.memory_space<semaphore_mem>>)
      %slice3A_62 = vector.extract_strided_slice %get3A_28 {offsets = [3], sizes = [1], strides = [1]} : vector<16xi32> to vector<1xi32>
      %squeeze3A_63 = vector.extract %slice3A_62[0] : i32 from vector<1xi32>
      %add3A_64 = arith.constant 3 : i32
      %add3A_65 = arith.addi %add3A_26, %add3A_64 : i32
      %dma_start3A_66 = arith.constant 0 : i32
      %dma_start3A_67 = tpu.memref_slice %arg10[%add3A_65, %dma_start3A_66] : memref<512x64xf32, #tpu.memory_space<vmem>> -> memref<1x64xf32, #tpu.memory_space<vmem>>
      %dma_start3A_68 = arith.constant 0 : i32
      %dma_start3A_69 = tpu.memref_slice %arg5[%squeeze3A_63, %dma_start3A_68] : memref<1000000x64xf32, #tpu.memory_space<hbm>> -> memref<1x64xf32, #tpu.memory_space<hbm>>
      %dma_start3A_70 = arith.constant 0 : i32
      %dma_start3A_71 = tpu.memref_slice %arg10[%add3A_65, %dma_start3A_70] : memref<512x64xf32, #tpu.memory_space<vmem>> -> memref<1x64xf32, #tpu.memory_space<vmem>>
      %dma_start3A_72 = arith.constant 0 : i32
      %dma_start3A_73 = tpu.memref_slice %arg5[%squeeze3A_63, %dma_start3A_72] : memref<1000000x64xf32, #tpu.memory_space<hbm>> -> memref<1x64xf32, #tpu.memory_space<hbm>>
      tpu.enqueue_dma source(%dma_start3A_73 : memref<1x64xf32, #tpu.memory_space<hbm>>) target(%dma_start3A_71 : memref<1x64xf32, #tpu.memory_space<vmem>>) target_semaphore(%arg11 : memref<!tpu.dma_semaphore, #tpu.memory_space<semaphore_mem>>)
      %slice3A_74 = vector.extract_strided_slice %get3A_28 {offsets = [4], sizes = [1], strides = [1]} : vector<16xi32> to vector<1xi32>
      %squeeze3A_75 = vector.extract %slice3A_74[0] : i32 from vector<1xi32>
      %add3A_76 = arith.constant 4 : i32
      %add3A_77 = arith.addi %add3A_26, %add3A_76 : i32
      %dma_start3A_78 = arith.constant 0 : i32
      %dma_start3A_79 = tpu.memref_slice %arg10[%add3A_77, %dma_start3A_78] : memref<512x64xf32, #tpu.memory_space<vmem>> -> memref<1x64xf32, #tpu.memory_space<vmem>>
      %dma_start3A_80 = arith.constant 0 : i32
      %dma_start3A_81 = tpu.memref_slice %arg5[%squeeze3A_75, %dma_start3A_80] : memref<1000000x64xf32, #tpu.memory_space<hbm>> -> memref<1x64xf32, #tpu.memory_space<hbm>>
      %dma_start3A_82 = arith.constant 0 : i32
      %dma_start3A_83 = tpu.memref_slice %arg10[%add3A_77, %dma_start3A_82] : memref<512x64xf32, #tpu.memory_space<vmem>> -> memref<1x64xf32, #tpu.memory_space<vmem>>
      %dma_start3A_84 = arith.constant 0 : i32
      %dma_start3A_85 = tpu.memref_slice %arg5[%squeeze3A_75, %dma_start3A_84] : memref<1000000x64xf32, #tpu.memory_space<hbm>> -> memref<1x64xf32, #tpu.memory_space<hbm>>
      tpu.enqueue_dma source(%dma_start3A_85 : memref<1x64xf32, #tpu.memory_space<hbm>>) target(%dma_start3A_83 : memref<1x64xf32, #tpu.memory_space<vmem>>) target_semaphore(%arg11 : memref<!tpu.dma_semaphore, #tpu.memory_space<semaphore_mem>>)
      %slice3A_86 = vector.extract_strided_slice %get3A_28 {offsets = [5], sizes = [1], strides = [1]} : vector<16xi32> to vector<1xi32>
      %squeeze3A_87 = vector.extract %slice3A_86[0] : i32 from vector<1xi32>
      %add3A_88 = arith.constant 5 : i32
      %add3A_89 = arith.addi %add3A_26, %add3A_88 : i32
      %dma_start3A_90 = arith.constant 0 : i32
      %dma_start3A_91 = tpu.memref_slice %arg10[%add3A_89, %dma_start3A_90] : memref<512x64xf32, #tpu.memory_space<vmem>> -> memref<1x64xf32, #tpu.memory_space<vmem>>
      %dma_start3A_92 = arith.constant 0 : i32
      %dma_start3A_93 = tpu.memref_slice %arg5[%squeeze3A_87, %dma_start3A_92] : memref<1000000x64xf32, #tpu.memory_space<hbm>> -> memref<1x64xf32, #tpu.memory_space<hbm>>
      %dma_start3A_94 = arith.constant 0 : i32
      %dma_start3A_95 = tpu.memref_slice %arg10[%add3A_89, %dma_start3A_94] : memref<512x64xf32, #tpu.memory_space<vmem>> -> memref<1x64xf32, #tpu.memory_space<vmem>>
      %dma_start3A_96 = arith.constant 0 : i32
      %dma_start3A_97 = tpu.memref_slice %arg5[%squeeze3A_87, %dma_start3A_96] : memref<1000000x64xf32, #tpu.memory_space<hbm>> -> memref<1x64xf32, #tpu.memory_space<hbm>>
      tpu.enqueue_dma source(%dma_start3A_97 : memref<1x64xf32, #tpu.memory_space<hbm>>) target(%dma_start3A_95 : memref<1x64xf32, #tpu.memory_space<vmem>>) target_semaphore(%arg11 : memref<!tpu.dma_semaphore, #tpu.memory_space<semaphore_mem>>)
      %slice3A_98 = vector.extract_strided_slice %get3A_28 {offsets = [6], sizes = [1], strides = [1]} : vector<16xi32> to vector<1xi32>
      %squeeze3A_99 = vector.extract %slice3A_98[0] : i32 from vector<1xi32>
      %add3A_100 = arith.constant 6 : i32
      %add3A_101 = arith.addi %add3A_26, %add3A_100 : i32
      %dma_start3A_102 = arith.constant 0 : i32
      %dma_start3A_103 = tpu.memref_slice %arg10[%add3A_101, %dma_start3A_102] : memref<512x64xf32, #tpu.memory_space<vmem>> -> memref<1x64xf32, #tpu.memory_space<vmem>>
      %dma_start3A_104 = arith.constant 0 : i32
      %dma_start3A_105 = tpu.memref_slice %arg5[%squeeze3A_99, %dma_start3A_104] : memref<1000000x64xf32, #tpu.memory_space<hbm>> -> memref<1x64xf32, #tpu.memory_space<hbm>>
      %dma_start3A_106 = arith.constant 0 : i32
      %dma_start3A_107 = tpu.memref_slice %arg10[%add3A_101, %dma_start3A_106] : memref<512x64xf32, #tpu.memory_space<vmem>> -> memref<1x64xf32, #tpu.memory_space<vmem>>
      %dma_start3A_108 = arith.constant 0 : i32
      %dma_start3A_109 = tpu.memref_slice %arg5[%squeeze3A_99, %dma_start3A_108] : memref<1000000x64xf32, #tpu.memory_space<hbm>> -> memref<1x64xf32, #tpu.memory_space<hbm>>
      tpu.enqueue_dma source(%dma_start3A_109 : memref<1x64xf32, #tpu.memory_space<hbm>>) target(%dma_start3A_107 : memref<1x64xf32, #tpu.memory_space<vmem>>) target_semaphore(%arg11 : memref<!tpu.dma_semaphore, #tpu.memory_space<semaphore_mem>>)
      %slice3A_110 = vector.extract_strided_slice %get3A_28 {offsets = [7], sizes = [1], strides = [1]} : vector<16xi32> to vector<1xi32>
      %squeeze3A_111 = vector.extract %slice3A_110[0] : i32 from vector<1xi32>
      %add3A_112 = arith.constant 7 : i32
      %add3A_113 = arith.addi %add3A_26, %add3A_112 : i32
      %dma_start3A_114 = arith.constant 0 : i32
      %dma_start3A_115 = tpu.memref_slice %arg10[%add3A_113, %dma_start3A_114] : memref<512x64xf32, #tpu.memory_space<vmem>> -> memref<1x64xf32, #tpu.memory_space<vmem>>
      %dma_start3A_116 = arith.constant 0 : i32
      %dma_start3A_117 = tpu.memref_slice %arg5[%squeeze3A_111, %dma_start3A_116] : memref<1000000x64xf32, #tpu.memory_space<hbm>> -> memref<1x64xf32, #tpu.memory_space<hbm>>
      %dma_start3A_118 = arith.constant 0 : i32
      %dma_start3A_119 = tpu.memref_slice %arg10[%add3A_113, %dma_start3A_118] : memref<512x64xf32, #tpu.memory_space<vmem>> -> memref<1x64xf32, #tpu.memory_space<vmem>>
      %dma_start3A_120 = arith.constant 0 : i32
      %dma_start3A_121 = tpu.memref_slice %arg5[%squeeze3A_111, %dma_start3A_120] : memref<1000000x64xf32, #tpu.memory_space<hbm>> -> memref<1x64xf32, #tpu.memory_space<hbm>>
      tpu.enqueue_dma source(%dma_start3A_121 : memref<1x64xf32, #tpu.memory_space<hbm>>) target(%dma_start3A_119 : memref<1x64xf32, #tpu.memory_space<vmem>>) target_semaphore(%arg11 : memref<!tpu.dma_semaphore, #tpu.memory_space<semaphore_mem>>)
      %slice3A_122 = vector.extract_strided_slice %get3A_28 {offsets = [8], sizes = [1], strides = [1]} : vector<16xi32> to vector<1xi32>
      %squeeze3A_123 = vector.extract %slice3A_122[0] : i32 from vector<1xi32>
      %add3A_124 = arith.constant 8 : i32
      %add3A_125 = arith.addi %add3A_26, %add3A_124 : i32
      %dma_start3A_126 = arith.constant 0 : i32
      %dma_start3A_127 = tpu.memref_slice %arg10[%add3A_125, %dma_start3A_126] : memref<512x64xf32, #tpu.memory_space<vmem>> -> memref<1x64xf32, #tpu.memory_space<vmem>>
      %dma_start3A_128 = arith.constant 0 : i32
      %dma_start3A_129 = tpu.memref_slice %arg5[%squeeze3A_123, %dma_start3A_128] : memref<1000000x64xf32, #tpu.memory_space<hbm>> -> memref<1x64xf32, #tpu.memory_space<hbm>>
      %dma_start3A_130 = arith.constant 0 : i32
      %dma_start3A_131 = tpu.memref_slice %arg10[%add3A_125, %dma_start3A_130] : memref<512x64xf32, #tpu.memory_space<vmem>> -> memref<1x64xf32, #tpu.memory_space<vmem>>
      %dma_start3A_132 = arith.constant 0 : i32
      %dma_start3A_133 = tpu.memref_slice %arg5[%squeeze3A_123, %dma_start3A_132] : memref<1000000x64xf32, #tpu.memory_space<hbm>> -> memref<1x64xf32, #tpu.memory_space<hbm>>
      tpu.enqueue_dma source(%dma_start3A_133 : memref<1x64xf32, #tpu.memory_space<hbm>>) target(%dma_start3A_131 : memref<1x64xf32, #tpu.memory_space<vmem>>) target_semaphore(%arg11 : memref<!tpu.dma_semaphore, #tpu.memory_space<semaphore_mem>>)
      %slice3A_134 = vector.extract_strided_slice %get3A_28 {offsets = [9], sizes = [1], strides = [1]} : vector<16xi32> to vector<1xi32>
      %squeeze3A_135 = vector.extract %slice3A_134[0] : i32 from vector<1xi32>
      %add3A_136 = arith.constant 9 : i32
      %add3A_137 = arith.addi %add3A_26, %add3A_136 : i32
      %dma_start3A_138 = arith.constant 0 : i32
      %dma_start3A_139 = tpu.memref_slice %arg10[%add3A_137, %dma_start3A_138] : memref<512x64xf32, #tpu.memory_space<vmem>> -> memref<1x64xf32, #tpu.memory_space<vmem>>
      %dma_start3A_140 = arith.constant 0 : i32
      %dma_start3A_141 = tpu.memref_slice %arg5[%squeeze3A_135, %dma_start3A_140] : memref<1000000x64xf32, #tpu.memory_space<hbm>> -> memref<1x64xf32, #tpu.memory_space<hbm>>
      %dma_start3A_142 = arith.constant 0 : i32
      %dma_start3A_143 = tpu.memref_slice %arg10[%add3A_137, %dma_start3A_142] : memref<512x64xf32, #tpu.memory_space<vmem>> -> memref<1x64xf32, #tpu.memory_space<vmem>>
      %dma_start3A_144 = arith.constant 0 : i32
      %dma_start3A_145 = tpu.memref_slice %arg5[%squeeze3A_135, %dma_start3A_144] : memref<1000000x64xf32, #tpu.memory_space<hbm>> -> memref<1x64xf32, #tpu.memory_space<hbm>>
      tpu.enqueue_dma source(%dma_start3A_145 : memref<1x64xf32, #tpu.memory_space<hbm>>) target(%dma_start3A_143 : memref<1x64xf32, #tpu.memory_space<vmem>>) target_semaphore(%arg11 : memref<!tpu.dma_semaphore, #tpu.memory_space<semaphore_mem>>)
      %slice3A_146 = vector.extract_strided_slice %get3A_28 {offsets = [10], sizes = [1], strides = [1]} : vector<16xi32> to vector<1xi32>
      %squeeze3A_147 = vector.extract %slice3A_146[0] : i32 from vector<1xi32>
      %add3A_148 = arith.constant 10 : i32
      %add3A_149 = arith.addi %add3A_26, %add3A_148 : i32
      %dma_start3A_150 = arith.constant 0 : i32
      %dma_start3A_151 = tpu.memref_slice %arg10[%add3A_149, %dma_start3A_150] : memref<512x64xf32, #tpu.memory_space<vmem>> -> memref<1x64xf32, #tpu.memory_space<vmem>>
      %dma_start3A_152 = arith.constant 0 : i32
      %dma_start3A_153 = tpu.memref_slice %arg5[%squeeze3A_147, %dma_start3A_152] : memref<1000000x64xf32, #tpu.memory_space<hbm>> -> memref<1x64xf32, #tpu.memory_space<hbm>>
      %dma_start3A_154 = arith.constant 0 : i32
      %dma_start3A_155 = tpu.memref_slice %arg10[%add3A_149, %dma_start3A_154] : memref<512x64xf32, #tpu.memory_space<vmem>> -> memref<1x64xf32, #tpu.memory_space<vmem>>
      %dma_start3A_156 = arith.constant 0 : i32
      %dma_start3A_157 = tpu.memref_slice %arg5[%squeeze3A_147, %dma_start3A_156] : memref<1000000x64xf32, #tpu.memory_space<hbm>> -> memref<1x64xf32, #tpu.memory_space<hbm>>
      tpu.enqueue_dma source(%dma_start3A_157 : memref<1x64xf32, #tpu.memory_space<hbm>>) target(%dma_start3A_155 : memref<1x64xf32, #tpu.memory_space<vmem>>) target_semaphore(%arg11 : memref<!tpu.dma_semaphore, #tpu.memory_space<semaphore_mem>>)
      %slice3A_158 = vector.extract_strided_slice %get3A_28 {offsets = [11], sizes = [1], strides = [1]} : vector<16xi32> to vector<1xi32>
      %squeeze3A_159 = vector.extract %slice3A_158[0] : i32 from vector<1xi32>
      %add3A_160 = arith.constant 11 : i32
      %add3A_161 = arith.addi %add3A_26, %add3A_160 : i32
      %dma_start3A_162 = arith.constant 0 : i32
      %dma_start3A_163 = tpu.memref_slice %arg10[%add3A_161, %dma_start3A_162] : memref<512x64xf32, #tpu.memory_space<vmem>> -> memref<1x64xf32, #tpu.memory_space<vmem>>
      %dma_start3A_164 = arith.constant 0 : i32
      %dma_start3A_165 = tpu.memref_slice %arg5[%squeeze3A_159, %dma_start3A_164] : memref<1000000x64xf32, #tpu.memory_space<hbm>> -> memref<1x64xf32, #tpu.memory_space<hbm>>
      %dma_start3A_166 = arith.constant 0 : i32
      %dma_start3A_167 = tpu.memref_slice %arg10[%add3A_161, %dma_start3A_166] : memref<512x64xf32, #tpu.memory_space<vmem>> -> memref<1x64xf32, #tpu.memory_space<vmem>>
      %dma_start3A_168 = arith.constant 0 : i32
      %dma_start3A_169 = tpu.memref_slice %arg5[%squeeze3A_159, %dma_start3A_168] : memref<1000000x64xf32, #tpu.memory_space<hbm>> -> memref<1x64xf32, #tpu.memory_space<hbm>>
      tpu.enqueue_dma source(%dma_start3A_169 : memref<1x64xf32, #tpu.memory_space<hbm>>) target(%dma_start3A_167 : memref<1x64xf32, #tpu.memory_space<vmem>>) target_semaphore(%arg11 : memref<!tpu.dma_semaphore, #tpu.memory_space<semaphore_mem>>)
      %slice3A_170 = vector.extract_strided_slice %get3A_28 {offsets = [12], sizes = [1], strides = [1]} : vector<16xi32> to vector<1xi32>
      %squeeze3A_171 = vector.extract %slice3A_170[0] : i32 from vector<1xi32>
      %add3A_172 = arith.constant 12 : i32
      %add3A_173 = arith.addi %add3A_26, %add3A_172 : i32
      %dma_start3A_174 = arith.constant 0 : i32
      %dma_start3A_175 = tpu.memref_slice %arg10[%add3A_173, %dma_start3A_174] : memref<512x64xf32, #tpu.memory_space<vmem>> -> memref<1x64xf32, #tpu.memory_space<vmem>>
      %dma_start3A_176 = arith.constant 0 : i32
      %dma_start3A_177 = tpu.memref_slice %arg5[%squeeze3A_171, %dma_start3A_176] : memref<1000000x64xf32, #tpu.memory_space<hbm>> -> memref<1x64xf32, #tpu.memory_space<hbm>>
      %dma_start3A_178 = arith.constant 0 : i32
      %dma_start3A_179 = tpu.memref_slice %arg10[%add3A_173, %dma_start3A_178] : memref<512x64xf32, #tpu.memory_space<vmem>> -> memref<1x64xf32, #tpu.memory_space<vmem>>
      %dma_start3A_180 = arith.constant 0 : i32
      %dma_start3A_181 = tpu.memref_slice %arg5[%squeeze3A_171, %dma_start3A_180] : memref<1000000x64xf32, #tpu.memory_space<hbm>> -> memref<1x64xf32, #tpu.memory_space<hbm>>
      tpu.enqueue_dma source(%dma_start3A_181 : memref<1x64xf32, #tpu.memory_space<hbm>>) target(%dma_start3A_179 : memref<1x64xf32, #tpu.memory_space<vmem>>) target_semaphore(%arg11 : memref<!tpu.dma_semaphore, #tpu.memory_space<semaphore_mem>>)
      %slice3A_182 = vector.extract_strided_slice %get3A_28 {offsets = [13], sizes = [1], strides = [1]} : vector<16xi32> to vector<1xi32>
      %squeeze3A_183 = vector.extract %slice3A_182[0] : i32 from vector<1xi32>
      %add3A_184 = arith.constant 13 : i32
      %add3A_185 = arith.addi %add3A_26, %add3A_184 : i32
      %dma_start3A_186 = arith.constant 0 : i32
      %dma_start3A_187 = tpu.memref_slice %arg10[%add3A_185, %dma_start3A_186] : memref<512x64xf32, #tpu.memory_space<vmem>> -> memref<1x64xf32, #tpu.memory_space<vmem>>
      %dma_start3A_188 = arith.constant 0 : i32
      %dma_start3A_189 = tpu.memref_slice %arg5[%squeeze3A_183, %dma_start3A_188] : memref<1000000x64xf32, #tpu.memory_space<hbm>> -> memref<1x64xf32, #tpu.memory_space<hbm>>
      %dma_start3A_190 = arith.constant 0 : i32
      %dma_start3A_191 = tpu.memref_slice %arg10[%add3A_185, %dma_start3A_190] : memref<512x64xf32, #tpu.memory_space<vmem>> -> memref<1x64xf32, #tpu.memory_space<vmem>>
      %dma_start3A_192 = arith.constant 0 : i32
      %dma_start3A_193 = tpu.memref_slice %arg5[%squeeze3A_183, %dma_start3A_192] : memref<1000000x64xf32, #tpu.memory_space<hbm>> -> memref<1x64xf32, #tpu.memory_space<hbm>>
      tpu.enqueue_dma source(%dma_start3A_193 : memref<1x64xf32, #tpu.memory_space<hbm>>) target(%dma_start3A_191 : memref<1x64xf32, #tpu.memory_space<vmem>>) target_semaphore(%arg11 : memref<!tpu.dma_semaphore, #tpu.memory_space<semaphore_mem>>)
      %slice3A_194 = vector.extract_strided_slice %get3A_28 {offsets = [14], sizes = [1], strides = [1]} : vector<16xi32> to vector<1xi32>
      %squeeze3A_195 = vector.extract %slice3A_194[0] : i32 from vector<1xi32>
      %add3A_196 = arith.constant 14 : i32
      %add3A_197 = arith.addi %add3A_26, %add3A_196 : i32
      %dma_start3A_198 = arith.constant 0 : i32
      %dma_start3A_199 = tpu.memref_slice %arg10[%add3A_197, %dma_start3A_198] : memref<512x64xf32, #tpu.memory_space<vmem>> -> memref<1x64xf32, #tpu.memory_space<vmem>>
      %dma_start3A_200 = arith.constant 0 : i32
      %dma_start3A_201 = tpu.memref_slice %arg5[%squeeze3A_195, %dma_start3A_200] : memref<1000000x64xf32, #tpu.memory_space<hbm>> -> memref<1x64xf32, #tpu.memory_space<hbm>>
      %dma_start3A_202 = arith.constant 0 : i32
      %dma_start3A_203 = tpu.memref_slice %arg10[%add3A_197, %dma_start3A_202] : memref<512x64xf32, #tpu.memory_space<vmem>> -> memref<1x64xf32, #tpu.memory_space<vmem>>
      %dma_start3A_204 = arith.constant 0 : i32
      %dma_start3A_205 = tpu.memref_slice %arg5[%squeeze3A_195, %dma_start3A_204] : memref<1000000x64xf32, #tpu.memory_space<hbm>> -> memref<1x64xf32, #tpu.memory_space<hbm>>
      tpu.enqueue_dma source(%dma_start3A_205 : memref<1x64xf32, #tpu.memory_space<hbm>>) target(%dma_start3A_203 : memref<1x64xf32, #tpu.memory_space<vmem>>) target_semaphore(%arg11 : memref<!tpu.dma_semaphore, #tpu.memory_space<semaphore_mem>>)
      %slice3A_206 = vector.extract_strided_slice %get3A_28 {offsets = [15], sizes = [1], strides = [1]} : vector<16xi32> to vector<1xi32>
      %squeeze3A_207 = vector.extract %slice3A_206[0] : i32 from vector<1xi32>
      %add3A_208 = arith.constant 15 : i32
      %add3A_209 = arith.addi %add3A_26, %add3A_208 : i32
      %dma_start3A_210 = arith.constant 0 : i32
      %dma_start3A_211 = tpu.memref_slice %arg10[%add3A_209, %dma_start3A_210] : memref<512x64xf32, #tpu.memory_space<vmem>> -> memref<1x64xf32, #tpu.memory_space<vmem>>
      %dma_start3A_212 = arith.constant 0 : i32
      %dma_start3A_213 = tpu.memref_slice %arg5[%squeeze3A_207, %dma_start3A_212] : memref<1000000x64xf32, #tpu.memory_space<hbm>> -> memref<1x64xf32, #tpu.memory_space<hbm>>
      %dma_start3A_214 = arith.constant 0 : i32
      %dma_start3A_215 = tpu.memref_slice %arg10[%add3A_209, %dma_start3A_214] : memref<512x64xf32, #tpu.memory_space<vmem>> -> memref<1x64xf32, #tpu.memory_space<vmem>>
      %dma_start3A_216 = arith.constant 0 : i32
      %dma_start3A_217 = tpu.memref_slice %arg5[%squeeze3A_207, %dma_start3A_216] : memref<1000000x64xf32, #tpu.memory_space<hbm>> -> memref<1x64xf32, #tpu.memory_space<hbm>>
      tpu.enqueue_dma source(%dma_start3A_217 : memref<1x64xf32, #tpu.memory_space<hbm>>) target(%dma_start3A_215 : memref<1x64xf32, #tpu.memory_space<vmem>>) target_semaphore(%arg11 : memref<!tpu.dma_semaphore, #tpu.memory_space<semaphore_mem>>)
    }
    %scan3A_16 = arith.constant 32 : i32
    %scan3A_17 = arith.constant 0 : i32
    %scan3A_18 = arith.constant 4 : i32
    %scan3A_19 = arith.addi %scan3A_17, %scan3A_18 : i32
    %scan3A_20 = arith.constant 1 : i32
    scf.for %scan3A_22 = %scan3A_17 to %scan3A_19 step %scan3A_20  : i32 {
      %mul3A_23 = arith.constant 128 : i32
      %mul3A_24 = arith.muli %scan3A_22, %mul3A_23 : i32
      %add3A_25 = arith.constant 0 : i32
      %add3A_26 = arith.addi %add3A_25, %mul3A_24 : i32
      %dma_wait3A = arith.constant 0 : i32
      %dma_wait3A_27 = tpu.memref_slice %arg10[%add3A_26, %dma_wait3A] : memref<512x64xf32, #tpu.memory_space<vmem>> -> memref<128x64xf32, #tpu.memory_space<vmem>>
      %dma_wait3A_28 = arith.constant 0 : i32
      %dma_wait3A_29 = arith.constant 0 : i32
      %dma_wait3A_30 = tpu.memref_slice %arg5[%dma_wait3A_28, %dma_wait3A_29] : memref<1000000x64xf32, #tpu.memory_space<hbm>> -> memref<128x64xf32, #tpu.memory_space<hbm>>
      %dma_wait3A_31 = arith.constant 0 : i32
      %dma_wait3A_32 = tpu.memref_slice %arg10[%add3A_26, %dma_wait3A_31] : memref<512x64xf32, #tpu.memory_space<vmem>> -> memref<128x64xf32, #tpu.memory_space<vmem>>
      %dma_wait3A_33 = arith.constant 0 : i32
      %dma_wait3A_34 = arith.constant 0 : i32
      %dma_wait3A_35 = tpu.memref_slice %arg5[%dma_wait3A_33, %dma_wait3A_34] : memref<1000000x64xf32, #tpu.memory_space<hbm>> -> memref<128x64xf32, #tpu.memory_space<hbm>>
      tpu.wait_dma2 semaphore(%arg11 : memref<!tpu.dma_semaphore, #tpu.memory_space<semaphore_mem>>) src(%dma_wait3A_35 : memref<128x64xf32, #tpu.memory_space<hbm>>) dst(%dma_wait3A_32 : memref<128x64xf32, #tpu.memory_space<vmem>>)
    }
    %scan3A_21 = arith.constant 4 : i32
    "tpu.region"() ({
      %run_scoped3A = tpu.sem_alloc : memref<!tpu.dma_semaphore, #tpu.memory_space<semaphore_mem>>
      %dma_start3A = arith.constant 0 : i32
      %dma_start3A_22 = tpu.memref_slice %arg7[%mul3A_2, %dma_start3A] : memref<16384x64xf32, #tpu.memory_space<hbm>> -> memref<512x64xf32, #tpu.memory_space<hbm>>
      %dma_start3A_23 = arith.constant 0 : i32
      %dma_start3A_24 = tpu.memref_slice %arg7[%mul3A_2, %dma_start3A_23] : memref<16384x64xf32, #tpu.memory_space<hbm>> -> memref<512x64xf32, #tpu.memory_space<hbm>>
      tpu.enqueue_dma source(%arg10 : memref<512x64xf32, #tpu.memory_space<vmem>>) target(%dma_start3A_24 : memref<512x64xf32, #tpu.memory_space<hbm>>) target_semaphore(%run_scoped3A : memref<!tpu.dma_semaphore, #tpu.memory_space<semaphore_mem>>)
      %dma_wait3A = arith.constant 0 : i32
      %dma_wait3A_25 = tpu.memref_slice %arg7[%mul3A_2, %dma_wait3A] : memref<16384x64xf32, #tpu.memory_space<hbm>> -> memref<512x64xf32, #tpu.memory_space<hbm>>
      %dma_wait3A_26 = arith.constant 0 : i32
      %dma_wait3A_27 = tpu.memref_slice %arg7[%mul3A_2, %dma_wait3A_26] : memref<16384x64xf32, #tpu.memory_space<hbm>> -> memref<512x64xf32, #tpu.memory_space<hbm>>
      tpu.wait_dma2 semaphore(%run_scoped3A : memref<!tpu.dma_semaphore, #tpu.memory_space<semaphore_mem>>) src(%arg10 : memref<512x64xf32, #tpu.memory_space<vmem>>) dst(%dma_wait3A_27 : memref<512x64xf32, #tpu.memory_space<hbm>>)
      tpu.yield
    }) : () -> ()
    return
  }
}

module attributes {stable_mosaic.version = 14 : i64} {
  func.func @_mlp_body(%arg0: i32, %arg1: memref<2048x64xf32, #tpu.memory_space<vmem>>, %arg2: memref<2048x64xf32, #tpu.memory_space<vmem>>, %arg3: memref<64x256xf32, #tpu.memory_space<vmem>>, %arg4: memref<64x256xf32, #tpu.memory_space<vmem>>, %arg5: memref<1x256xf32, #tpu.memory_space<vmem>>, %arg6: memref<256x128xf32, #tpu.memory_space<vmem>>, %arg7: memref<1x128xf32, #tpu.memory_space<vmem>>, %arg8: memref<128x1xf32, #tpu.memory_space<vmem>>, %arg9: memref<1x1xf32, #tpu.memory_space<vmem>>, %arg10: memref<2048x1xf32, #tpu.memory_space<vmem>>) attributes {dimension_semantics = [#tpu.dimension_semantics<arbitrary>], iteration_bounds = array<i64: 8>, scalar_prefetch = 0 : i64, scratch_operands = 0 : i64, tpu.core_type = #tpu.core_type<tc>, window_params = [{transform_indices = @transform_0, window_bounds = array<i64: 2048, 64>}, {transform_indices = @transform_1, window_bounds = array<i64: 2048, 64>}, {pipeline_mode = #tpu.pipeline_mode<synchronous>, transform_indices = @transform_2, window_bounds = array<i64: 64, 256>}, {pipeline_mode = #tpu.pipeline_mode<synchronous>, transform_indices = @transform_3, window_bounds = array<i64: 64, 256>}, {pipeline_mode = #tpu.pipeline_mode<synchronous>, transform_indices = @transform_4, window_bounds = array<i64: 1, 256>}, {pipeline_mode = #tpu.pipeline_mode<synchronous>, transform_indices = @transform_5, window_bounds = array<i64: 256, 128>}, {pipeline_mode = #tpu.pipeline_mode<synchronous>, transform_indices = @transform_6, window_bounds = array<i64: 1, 128>}, {pipeline_mode = #tpu.pipeline_mode<synchronous>, transform_indices = @transform_7, window_bounds = array<i64: 128, 1>}, {pipeline_mode = #tpu.pipeline_mode<synchronous>, transform_indices = @transform_8, window_bounds = array<i64: 1, 1>}, {transform_indices = @transform_9, window_bounds = array<i64: 2048, 1>}]} {
    %get3A = arith.constant 0 : index
    %get3A_0 = arith.constant 0 : index
    %get3A_1 = vector.load %arg1[%get3A, %get3A_0] : memref<2048x64xf32, #tpu.memory_space<vmem>>, vector<2048x64xf32>
    %get3A_2 = arith.constant 0 : index
    %get3A_3 = arith.constant 0 : index
    %get3A_4 = vector.load %arg3[%get3A_2, %get3A_3] : memref<64x256xf32, #tpu.memory_space<vmem>>, vector<64x256xf32>
    %dot_general3A = arith.constant dense<0.000000e+00> : vector<2048x256xf32>
    %dot_general3A_5 = tpu.matmul %get3A_1, %get3A_4, %dot_general3A {dimension_numbers = #tpu.dot_dimension_numbers<[1], [0], [0], [1], [0, 0, 1, 1], [], []>, transpose_lhs_hint = false} : vector<2048x64xf32>, vector<64x256xf32>, vector<2048x256xf32> -> vector<2048x256xf32>
    %get3A_6 = arith.constant 0 : index
    %get3A_7 = arith.constant 0 : index
    %get3A_8 = vector.load %arg2[%get3A_6, %get3A_7] : memref<2048x64xf32, #tpu.memory_space<vmem>>, vector<2048x64xf32>
    %get3A_9 = arith.constant 0 : index
    %get3A_10 = arith.constant 0 : index
    %get3A_11 = vector.load %arg4[%get3A_9, %get3A_10] : memref<64x256xf32, #tpu.memory_space<vmem>>, vector<64x256xf32>
    %dot_general3A_12 = arith.constant dense<0.000000e+00> : vector<2048x256xf32>
    %dot_general3A_13 = tpu.matmul %get3A_8, %get3A_11, %dot_general3A_12 {dimension_numbers = #tpu.dot_dimension_numbers<[1], [0], [0], [1], [0, 0, 1, 1], [], []>, transpose_lhs_hint = false} : vector<2048x64xf32>, vector<64x256xf32>, vector<2048x256xf32> -> vector<2048x256xf32>
    %add3A = arith.addf %dot_general3A_5, %dot_general3A_13 : vector<2048x256xf32>
    %get3A_14 = arith.constant 0 : index
    %get3A_15 = arith.constant 0 : index
    %get3A_16 = vector.load %arg5[%get3A_14, %get3A_15] : memref<1x256xf32, #tpu.memory_space<vmem>>, vector<1x256xf32>
    %add3A_17 = vector.broadcast %get3A_16 : vector<1x256xf32> to vector<2048x256xf32>
    %add3A_18 = arith.addf %add3A, %add3A_17 : vector<2048x256xf32>
    %max3A = arith.constant 0.000000e+00 : f32
    %max3A_19 = vector.broadcast %max3A : f32 to vector<2048x256xf32>
    %max3A_20 = arith.maximumf %add3A_18, %max3A_19 : vector<2048x256xf32>
    %get3A_21 = arith.constant 0 : index
    %get3A_22 = arith.constant 0 : index
    %get3A_23 = vector.load %arg6[%get3A_21, %get3A_22] : memref<256x128xf32, #tpu.memory_space<vmem>>, vector<256x128xf32>
    %dot_general3A_24 = arith.constant dense<0.000000e+00> : vector<2048x128xf32>
    %dot_general3A_25 = tpu.matmul %max3A_20, %get3A_23, %dot_general3A_24 {dimension_numbers = #tpu.dot_dimension_numbers<[1], [0], [0], [1], [0, 0, 1, 1], [], []>, transpose_lhs_hint = false} : vector<2048x256xf32>, vector<256x128xf32>, vector<2048x128xf32> -> vector<2048x128xf32>
    %get3A_26 = arith.constant 0 : index
    %get3A_27 = arith.constant 0 : index
    %get3A_28 = vector.load %arg7[%get3A_26, %get3A_27] : memref<1x128xf32, #tpu.memory_space<vmem>>, vector<1x128xf32>
    %add3A_29 = vector.broadcast %get3A_28 : vector<1x128xf32> to vector<2048x128xf32>
    %add3A_30 = arith.addf %dot_general3A_25, %add3A_29 : vector<2048x128xf32>
    %max3A_31 = arith.constant 0.000000e+00 : f32
    %max3A_32 = vector.broadcast %max3A_31 : f32 to vector<2048x128xf32>
    %max3A_33 = arith.maximumf %add3A_30, %max3A_32 : vector<2048x128xf32>
    %get3A_34 = arith.constant 0 : index
    %get3A_35 = arith.constant 0 : index
    %get3A_36 = vector.load %arg8[%get3A_34, %get3A_35] : memref<128x1xf32, #tpu.memory_space<vmem>>, vector<128x1xf32>
    %dot_general3A_37 = arith.constant dense<0.000000e+00> : vector<2048x1xf32>
    %dot_general3A_38 = tpu.matmul %max3A_33, %get3A_36, %dot_general3A_37 {dimension_numbers = #tpu.dot_dimension_numbers<[1], [0], [0], [1], [0, 0, 1, 1], [], []>, transpose_lhs_hint = false} : vector<2048x128xf32>, vector<128x1xf32>, vector<2048x1xf32> -> vector<2048x1xf32>
    %get3A_39 = arith.constant 0 : index
    %get3A_40 = arith.constant 0 : index
    %get3A_41 = vector.load %arg9[%get3A_39, %get3A_40] : memref<1x1xf32, #tpu.memory_space<vmem>>, vector<1x1xf32>
    %add3A_42 = vector.broadcast %get3A_41 : vector<1x1xf32> to vector<2048x1xf32>
    %add3A_43 = arith.addf %dot_general3A_38, %add3A_42 : vector<2048x1xf32>
    %swap3A = arith.constant 0 : index
    %swap3A_44 = arith.constant 0 : index
    %swap3A_45 = vector.load %arg10[%swap3A, %swap3A_44] : memref<2048x1xf32, #tpu.memory_space<vmem>>, vector<2048x1xf32>
    tpu.vector_store %arg10[%swap3A, %swap3A_44], %add3A_43 {strides = array<i32>} : memref<2048x1xf32, #tpu.memory_space<vmem>>, vector<2048x1xf32>,
    return
  }
  func.func @transform_0(%arg0: i32) -> (i32, i32) {
    %c0_i32 = arith.constant 0 : i32
    %c0_i32_0 = arith.constant 0 : i32
    return %arg0, %c0_i32 : i32, i32
  }
  func.func @transform_1(%arg0: i32) -> (i32, i32) {
    %c0_i32 = arith.constant 0 : i32
    %c0_i32_0 = arith.constant 0 : i32
    return %arg0, %c0_i32 : i32, i32
  }
  func.func @transform_2(%arg0: i32) -> (i32, i32) {
    %c0_i32 = arith.constant 0 : i32
    %c0_i32_0 = arith.constant 0 : i32
    %c0_i32_1 = arith.constant 0 : i32
    return %c0_i32, %c0_i32_0 : i32, i32
  }
  func.func @transform_3(%arg0: i32) -> (i32, i32) {
    %c0_i32 = arith.constant 0 : i32
    %c0_i32_0 = arith.constant 0 : i32
    %c0_i32_1 = arith.constant 0 : i32
    return %c0_i32, %c0_i32_0 : i32, i32
  }
  func.func @transform_4(%arg0: i32) -> (i32, i32) {
    %c0_i32 = arith.constant 0 : i32
    %c0_i32_0 = arith.constant 0 : i32
    %c0_i32_1 = arith.constant 0 : i32
    return %c0_i32, %c0_i32_0 : i32, i32
  }
  func.func @transform_5(%arg0: i32) -> (i32, i32) {
    %c0_i32 = arith.constant 0 : i32
    %c0_i32_0 = arith.constant 0 : i32
    %c0_i32_1 = arith.constant 0 : i32
    return %c0_i32, %c0_i32_0 : i32, i32
  }
  func.func @transform_6(%arg0: i32) -> (i32, i32) {
    %c0_i32 = arith.constant 0 : i32
    %c0_i32_0 = arith.constant 0 : i32
    %c0_i32_1 = arith.constant 0 : i32
    return %c0_i32, %c0_i32_0 : i32, i32
  }
  func.func @transform_7(%arg0: i32) -> (i32, i32) {
    %c0_i32 = arith.constant 0 : i32
    %c0_i32_0 = arith.constant 0 : i32
    %c0_i32_1 = arith.constant 0 : i32
    return %c0_i32, %c0_i32_0 : i32, i32
  }
  func.func @transform_8(%arg0: i32) -> (i32, i32) {
    %c0_i32 = arith.constant 0 : i32
    %c0_i32_0 = arith.constant 0 : i32
    %c0_i32_1 = arith.constant 0 : i32
    return %c0_i32, %c0_i32_0 : i32, i32
  }
  func.func @transform_9(%arg0: i32) -> (i32, i32) {
    %c0_i32 = arith.constant 0 : i32
    %c0_i32_0 = arith.constant 0 : i32
    return %arg0, %c0_i32 : i32, i32
  }
}

</mosaic_0001>

<sc_bundles>
// kernel: kernel.4.cloned.1.call-start
scs
__scs_entry_jumppad:
0x0: {  	(pc) =	sbr.rel $0x88, $3  }
0x1: {  	(tag) =	ssettag $0x0;
	lr =	simm.s32 $0x1  }
0x2: {  	[smem:$0x3F97] =	sst lr;
	_ =	strace $0xD0000000  }
0x3: {  	_ = 	snop  }
0x4: {  	_ = 	snop  }
0x5: {  	_ = 	snop  }
0x6: {  	_ = 	snop  }
0x7: {  	_ = 	snop  }
__scs_overlays_trampoline_lowered:
0x8: {  	[smem:$0x3FA6] =	sst s0  }
0x9: {  	[smem:$0x3FA7] =	sst s1  }
0xa: {  	[smem:$0x3FA8] =	sst s2  }
0xb: {  	[smem:$0x3FA9] =	sst s3  }
0xc: {  	[smem:$0x3FAA] =	sst s4  }
0xd: {  	[smem:$0x3FAB] =	sst s5  }
0xe: {  	[smem:$0x3FAC] =	sst s6  }
0xf: {  	[smem:$0x3FAD] =	sst s7  }
0x10: {  	[smem:$0x3FAE] =	sst s8  }
0x11: {  	[smem:$0x3FAF] =	sst s9;
	s0 =	simm.s32 @!p0 $0x0  }
0x12: {  	s1 =	sld [smem:$0x3F95];
	s0 =	simm.s32 @p0 $0x1  }
0x13: {  	[smem:$0x3FB0] =	sst s0;
	s0 =	simm.s32 @!p1 $0x0  }
0x14: {  	s2 =	sld [smem:$0x3F94];
	s0 =	simm.s32 @p1 $0x1  }
0x15: {  	[smem:$0x3FB1] =	sst s0;
	s0 =	simm.s32 @!p2 $0x0  }
0x16: {  	s3 =	sld [smem:$0x3FDB];
	s0 =	simm.s32 @p2 $0x1  }
0x17: {  	s4 =	simm.s32 $0x1BF5;
	[smem:$0x3FB3] =	sst s0  }
0x18: {  	s0 =	sld [smem:$0x3F96];
	_ =	swait.ge [sflag:s4], $0x0  }
0x19: {  	s7 =	sld [smem:$0x3F97]  }
0x1a: {  	s8 =	sadd.s32 $0xFFFFE003, lr  }
0x1b: {  	s9 =	sadd.s32 $0xFFFFFEF7, lr;
	s5 =	simm.s32 $0xFFFFFFFF;
	p2 =	slt.u32 s8, $0xFFFFF086  }
0x1c: {  	p1 =	slt.u32 s9, $0xF7A;
	s5 =	simm.s32 @!p2 $0x0  }
0x1d: {  	s5 =	simm.s32 @p1 $0x1;
	p0 =	seq.s32 s7, s2  }
0x1e: {  	s7 =	smul.u32 @!p0 $0xF7A, s2;
	p2 =	seq.s32 @!p0 s5, $0x0  }
0x1f: {  	s9 =	smul.u32 $0xF7A, s1;
	s8 =	simm.s32 @!p0 $0x1BF5;
	p2 =	por !p2, p0  }
0x20: {  	[sflag:s8] =	ssyncset.s32 @!p0 $0xFFFFF086;
	s6 =	sadd.s32 @!p0 s3, s7;
	s7 =	simm.s32 @!p0 $0x108  }
0x21: {  	s3 =	sadd.s32 s3, s9;
	s6 =	sadd.s32 @!p0 $0x88, s6;
	s7 =	simm.s32 @p2 $0x1082  }
0x22: {  	[simem:s7], [sflag:s8] =	dma.local @!p0 [hbm:s6], $0xF7A  }
0x23: {  	s9 =	sor.u32 $0xD0000000, s2;
	s6 =	simm.s32 $0x108;
	_ =	swait.ge @!p0 [sflag:s8], $0x0  }
0x24: {  	s3 =	sadd.s32 $0x88, s3;
	s6 =	simm.s32 @!p1 $0x1082;
	[sflag:s4] =	ssyncset.s32 $0xFFFFF086  }
0x25: {  	[simem:s6], [sflag:s4] =	dma.local [hbm:s3], $0xF7A  }
0x26: {  	[smem:$0x3F97] =	sst s1;
	(tag) =	ssettag s2;
	_ =	strace s9  }
0x27: {  	s1 =	sld [smem:$0x3FA7]  }
0x28: {  	s2 =	sld [smem:$0x3FA8]  }
0x29: {  	s4 =	sld [smem:$0x3FAA]  }
0x2a: {  	p0 =	seq.s32 s5, $0x0;
	s5 =	sld [smem:$0x3FAB]  }
0x2b: {  	s6 =	sld [smem:$0x3FAC]  }
0x2c: {  	s7 =	sld [smem:$0x3FAD]  }
0x2d: {  	s3 =	simm.s32 $0x108;
	s8 =	sld [smem:$0x3FAE]  }
0x2e: {  	s3 =	simm.s32 @!p0 $0x1082;
	s9 =	sld [smem:$0x3FAF]  }
0x2f: {  	lr =	sadd.s32 s0, s3;
	s0 =	sld [smem:$0x3FA6]  }
0x30: {  	s3 =	sld [smem:$0x3FA9]  }
0x31: {  	[smem:$0x3FB2] =	sst s10  }
0x32: {  	s10 =	sld [smem:$0x3FB0];
	_ =	sdelay $0x3  }
0x33: {  	p0 =	seq.s32 s10, $0x1;
	s10 =	sld [smem:$0x3FB2];
	_ =	sdelay $0x3  }
0x34: {  	[smem:$0x3FB2] =	sst s10  }
0x35: {  	s10 =	sld [smem:$0x3FB1];
	_ =	sdelay $0x3  }
0x36: {  	p1 =	seq.s32 s10, $0x1;
	s10 =	sld [smem:$0x3FB2];
	_ =	sdelay $0x3  }
0x37: {  	[smem:$0x3FB2] =	sst s10  }
0x38: {  	s10 =	sld [smem:$0x3FB3]  }
0x39: {  	_ = 	snop;
	(pc) =	sbr.ind lr, $3  }
0x3a: {  	_ = 	snop  }
0x3b: {  	_ = 	snop  }
0x3c: {  	p2 =	seq.s32 s10, $0x1;
	s10 =	sld [smem:$0x3FB2]  }
0x3d: {  	_ =	shalt  }
0x3e: {  	_ =	shalt  }
0x3f: {  	_ =	shalt  }
0x40: {  	_ =	shalt  }
0x41: {  	_ =	shalt  }
0x42: {  	_ =	shalt  }
0x43: {  	_ =	shalt  }
0x44: {  	_ =	shalt  }
0x45: {  	_ =	shalt  }
0x46: {  	_ =	shalt  }
0x47: {  	_ =	shalt  }
0x48: {  	_ =	shalt  }
0x49: {  	_ =	shalt  }
0x4a: {  	_ =	shalt  }
0x4b: {  	_ =	shalt  }
0x4c: {  	_ =	shalt  }
0x4d: {  	_ =	shalt  }
0x4e: {  	_ =	shalt  }
0x4f: {  	_ =	shalt  }
0x50: {  	_ =	shalt  }
0x51: {  	_ =	shalt  }
0x52: {  	_ =	shalt  }
0x53: {  	_ =	shalt  }
0x54: {  	_ =	shalt  }
0x55: {  	_ =	shalt  }
0x56: {  	_ =	shalt  }
0x57: {  	_ =	shalt  }
0x58: {  	_ =	shalt  }
0x59: {  	_ =	shalt  }
0x5a: {  	_ =	shalt  }
0x5b: {  	_ =	shalt  }
0x5c: {  	_ =	shalt  }
0x5d: {  	_ =	shalt  }
0x5e: {  	_ =	shalt  }
0x5f: {  	_ =	shalt  }
0x60: {  	_ =	shalt  }
0x61: {  	_ =	shalt  }
0x62: {  	_ =	shalt  }
0x63: {  	_ =	shalt  }
0x64: {  	_ =	shalt  }
0x65: {  	_ =	shalt  }
0x66: {  	_ =	shalt  }
0x67: {  	_ =	shalt  }
0x68: {  	_ =	shalt  }
0x69: {  	_ =	shalt  }
0x6a: {  	_ =	shalt  }
0x6b: {  	_ =	shalt  }
0x6c: {  	_ =	shalt  }
0x6d: {  	_ =	shalt  }
0x6e: {  	_ =	shalt  }
0x6f: {  	_ =	shalt  }
0x70: {  	_ =	shalt  }
0x71: {  	_ =	shalt  }
0x72: {  	_ =	shalt  }
0x73: {  	_ =	shalt  }
0x74: {  	_ =	shalt  }
0x75: {  	_ =	shalt  }
0x76: {  	_ =	shalt  }
0x77: {  	_ =	shalt  }
0x78: {  	_ =	shalt  }
0x79: {  	_ =	shalt  }
0x7a: {  	_ =	shalt  }
0x7b: {  	_ =	shalt  }
0x7c: {  	_ =	shalt  }
0x7d: {  	_ =	shalt  }
0x7e: {  	_ =	shalt  }
0x7f: {  	_ =	shalt  }
0x80: {  	_ =	shalt  }
0x81: {  	_ =	shalt  }
0x82: {  	_ =	shalt  }
0x83: {  	_ =	shalt  }
0x84: {  	_ =	shalt  }
0x85: {  	_ =	shalt  }
0x86: {  	_ =	shalt  }
0x87: {  	_ =	shalt  }
.Lfunc_end0:
.L_simem_size_0:
called_computation_lowered:
.L_overlay_start_0:
0x88: {  	s2 =	sld [smem:$0x3FD9]  }
0x89: {  	s3 =	sld [smem:$0x3FFE];
	_ =	sdelay $0x1  }
0x8a: {  	s1 =	srdreg.scid  }
0x8b: {  	s0 =	sand.u32 $0x1, s1  }
0x8c: {  	s17 =	sshll.u32 s0, $0xA;
	s2 =	sadd.s32 s3, s2  }
0x8d: {  	s2 =	sadd.s32 s2, s17  }
0x8e: {  	[smem:$0x3FBE] =	sst s2  }
0x8f: {  	_ = 	snop  }
0x90: {  	s2 =	sld [smem:$0x3FC9]  }
0x91: {  	s18 =	sld [smem:$0x3FC8];
	(tm) =	ssettm $0x1  }
0x92: {  	s4 =	sld [smem:$0x3FFB];
	_ =	sdelay $0x3  }
0x93: {  	_ =	strace s4  }
0x94: {  	s4 =	sld [smem:$0x3FFC];
	_ =	sdelay $0x3  }
0x95: {  	_ =	strace s4  }
0x96: {  	s4 =	sld [smem:$0x3FFD];
	_ =	sdelay $0x3  }
0x97: {  	_ =	strace s4  }
0x98: {  	_ =	strace $0x8FFFFFFF  }
0x99: {  	s19 =	sld [smem:$0x3FDB];
	_ =	sdelay $0x1  }
0x9a: {  	s5 =	simm.s32 $_scs_section_size  }
0x9b: {  	s6 =	simm.s32 $_size__tile_overlayer_lowered;
	s7 =	simm.s32 $_tile_overlayer_lowered  }
0x9c: {  	s22 =	simm.s32 $0x1BFF;
	s21 =	sshll.u32 s7, $0x1;
	s4 =	sadd.s32 s5, s19  }
0x9d: {  	s8 =	simm.s32 $0x0;
	s20 =	sshll.u32 s6, $0x1;
	s6 =	sadd.s32 s21, s4  }
0x9e: {  	[timem:s8], [sflag:s22] =	dma.local [hbm:s6], s20  }
0x9f: {  	_ =	swait.ge [sflag:s22], s20  }
0xa0: {  	s5 =	ssub.s32 $0x0, s20;
	[sflag:s22] =	ssyncset.done $0x0  }
0xa1: {  	[sflag:s22] =	ssyncadd.s32 s5;
	_ =	sdelay $0x1  }
0xa2: {  	s23 =	simm.s32 $0x1B8B  }
0xa3: {  	_ =	swait.ge [sflag:s23], $0x1  }
0xa4: {  	[sflag:s23] =	ssyncset.done $0x0  }
0xa5: {  	s25 =	simm.s32 $0x1B8E;
	s24 =	sld [smem:$0x3FFE];
	[sflag:s23] =	ssyncadd.s32 $0xFFFFFFFF  }
0xa6: {  	s26 =	simm.s32 $execute0_lowered;
	[smem:$0x3FD2] =	sst s25  }
0xa7: {  	s6 =	sshll.u32 s26, $0x1;
	_ =	strace $0x80000046;
	[dreg:$0x1] =	wrdreg $0xFFFFFFFF  }
0xa8: {  	s28 =	simm.s32 $_size_execute0_lowered;
	s4 =	sadd.s32 s4, s6;
	[dreg:$0x0] =	wrdreg $0x0  }
0xa9: {  	s6 =	sshll.u32 s28, $0x1;
	[dreg:$0x2] =	wrdreg s4  }
0xaa: {  	[dreg:$0x3] =	wrdreg s6  }
0xab: {  	[dreg:$0x4] =	wrdreg $0xC0  }
0xac: {  	_ =	task [dreg:s8], $0x5FFFF  }
0xad: {  	[dreg:$0x1] =	wrdreg $0xFFFFFFFF  }
0xae: {  	[dreg:$0x0] =	wrdreg $0x60  }
0xaf: {  	[dreg:$0x2] =	wrdreg s2  }
0xb0: {  	[dreg:$0x3] =	wrdreg s18  }
0xb1: {  	[dreg:$0x4] =	wrdreg s24  }
0xb2: {  	[dreg:$0x5] =	wrdreg $0x9  }
0xb3: {  	_ =	task.clear_ibuf [dreg:s8], $0x6FFFF;
	_ =	strace $0x90000046  }
0xb4: {  	s29 =	simm.s32 $0x9;
	_ =	strace $0x80000048  }
0xb5: {  	_ =	swait.ge [sflag:s29], $0x1  }
0xb6: {  	[sflag:s29] =	ssyncadd.s32 $0xFFFFFFFF  }
0xb7: {  	_ =	strace $0x90000048  }
0xb8: {  	_ =	sfence  }
0xb9: {  	s30 =	sld [smem:$0x0];
	_ =	sdelay $0x2  }
0xba: {  	s31 =	sshll.u32 s1, $0xD;
	s1 =	sshrl.u32 s1, $0x2  }
0xbb: {  	s3 =	sand.u32 $0x4000, s31;
	s1 =	sadd.s32 s1, s30  }
0xbc: {  	s0 =	sor.u32 s3, s0;
	s1 =	sshll.u32 s1, $0x11  }
0xbd: {  	s0 =	sor.u32 s1, s0  }
0xbe: {  	s0 =	sadd.s32 $0x8F2B, s0  }
0xbf: {  	[sflag:s0] =	ssyncadd.remote.s32 $0x1  }
0xc0: {  	_ =	sfence.sel $0xFFFF  }
0xc1: {  	[dreg:$0x0] =	wrdreg $0xFFFFFFFF;
	(pc) =	sbr.abs _section_cstart, $3  }
0xc2: {  	[dreg:$0x1] =	wrdreg $0xFFFFFFFF  }
0xc3: {  	_ =	task.clear_ibuf [dreg:s8], $0x2FFFF;
	_ =	strace $0x9FFFFFFF  }
0xc4: {  	(tm) =	ssettm $0x7FFFFFFF  }
0xc5: {  	_ =	shalt  }
tec
execute0_lowered:
.L_overlay_start_1:
0x0: {  	(tag) =	ssettag $0x1  }
0x1: {  	s5 =	rddreg [dreg:$0x0]  }
0x2: {  	s6 =	rddreg [dreg:$0x1]  }
0x3: {  	s7 =	rddreg [dreg:$0x2];
	s2 =	simm.s32 $0x0  }
0x4: {  	s3 =	srdreg.scid;
	s0 =	stileid.u32;
	s12 =	simm.s32 $0x1  }
0x5: {  	s14 =	simm.s32 $0x0;
	[smem:$0x7FF] =	sst s2;
	s8 =	sand.u32 $0x1, s3  }
0x6: {  	s3 =	sadd.s32 $0x1200, s7;
	s9 =	sshll.u32 s0, $0xA;
	s10 =	sshll.u32 s8, $0x9  }
0x7: {  	s4 =	sadd.s32 $0xF43600, s7;
	s8 =	ssub.s32 $0x2, s8;
	s9 =	sor.u32 s10, s9  }
0x8: {  	_ =	strace $0x80000047;
	s11 =	sshrl.u32 s8, $0x1;
	s10 =	sshll.u32 s9, $0x4  }
0x9: {  	s9 =	sshrl.u32 s9, $0x3;
	s11 =	ssub.s32 s8, s11;
	s10 =	sadd.s32 s10, s7  }
0xa: {  	s5 =	sadd.s32 s5, s9;
	s6 =	sadd.s32 s6, s9;
	s9 =	smax.u32 s11, $0x1  }
0xb: {  	s7 =	sadd.s32 $0x1E85A00, s10;
	s8 =	sadd.s32 $0x1EC5A00, s10;
	s10 =	simm.s32 $0x2  }
.LBB2_1:
0xc: {  	[tilespmem:s2], [sflag:$0x2] =	stream.linear.gather [hbm4b:s5+s2], $0x200, $0x38;
	[tilespmem:$0x10400] =	vst v63  }
0xd: {  	_ =	swait.ge [sflag:s10], $0x200  }
0xe: {  	[sflag:s10] =	ssyncset.done $0x0  }
0xf: {  	s0 =	simm.s32 $0x200;
	[sflag:s10] =	ssyncadd.s32 $0xFFFFFE00  }
0x10: {  	[tilespmem:s0], [sflag:$0x2] =	stream.linear.gather [hbm4b:s6+s2], $0x200, $0x38;
	[tilespmem:$0x10400] =	vst v63  }
0x11: {  	_ =	swait.ge [sflag:s10], $0x200  }
0x12: {  	[sflag:s10] =	ssyncset.done $0x0  }
0x13: {  	[sflag:s10] =	ssyncadd.s32 $0xFFFFFE00  }
0x14: {  	v0 =	vld [tilespmem:s2+$0x0];
	_ =	sdelay $0x4  }
0x15: {  	v0 =	vshll.u32 v0, $0x4  }
0x16: {  	(v2sf) =	vpush v0, $0x0  }
0x17: {  	(v2sf) =	vpush v0, $0x1  }
0x18: {  	(v2sf) =	vpush v0, $0x2;
	_ =	sdelay $0x1  }
0x19: {  	(v2sf) =	vpush v0, $0x4;
	_ =	sdelay $0x1  }
0x1a: {  	(v2sf) =	vpush v0, $0x3  }
0x1b: {  	(v2sf) =	vpush v0, $0x5  }
0x1c: {  	s16 =	simm.s32 $0x2000;
	s15 =	simm.s32 $0x0;
	s17 =	simm.s32 $0x0;
	(v2sf) =	vpush v0, $0x6  }
.LBB2_2:
0x1d: {  	p0 =	sne.s32 s16, $0x3E000  }
0x1e: {  	s28 =	sadd.s32 $0x480, s15;
	s21 =	sadd.s32 $0x980, s15;
	s18 =	smov.u32 s16  }
0x1f: {  	s16 =	sadd.s32 $0x2000, s16;
	s24 =	sadd.s32 $0x780, s15;
	s19 =	sadd.s32 $0xA00, s15;
	(v2sf) =	vpush v0, $0x7  }
0x20: {  	s26 =	sadd.s32 $0x680, s15;
	s23 =	sadd.s32 $0x800, s15;
	s20 =	sadd.s32 $0xA80, s15  }
0x21: {  	s29 =	sadd.s32 $0x400, s15;
	s30 =	sadd.s32 $0x600, s15;
	(v2sf) =	vpush v0, $0x8  }
0x22: {  	s31 =	sadd.s32 $0x700, s15;
	s17 =	sadd.s32 $0x10, s17  }
0x23: {  	s0 =	sadd.s32 $0x500, s15;
	s22 =	sadd.s32 $0x900, s15;
	s25 =	spop (v2sf);
	(v2sf) =	vpush v0, $0x9  }
0x24: {  	s1 =	sand.u32 $0x1FFFFFF0, s25;
	s25 =	sadd.s32 $0x880, s15;
	s11 =	spop (v2sf)  }
0x25: {  	s1 =	sadd.s32 s3, s1;
	s11 =	sand.u32 $0x1FFFFFF0, s11;
	s13 =	spop (v2sf);
	(v2sf) =	vpush v0, $0xA  }
0x26: {  	[tilespmem:s29], [sflag:$0x1] =	stream.linear.gather [hbm4b:s1+s2], $0x80, $0x38;
	[tilespmem:$0x10400] =	vst v63  }
0x27: {  	s1 =	sadd.s32 s3, s11;
	s11 =	sadd.s32 $0x580, s15;
	s29 =	spop (v2sf);
	(v2sf) =	vpush v0, $0xB  }
0x28: {  	[tilespmem:s28], [sflag:$0x1] =	stream.linear.gather [hbm4b:s1+s2], $0x80, $0x38;
	[tilespmem:$0x10400] =	vst v63  }
0x29: {  	s1 =	sand.u32 $0x1FFFFFF0, s13;
	s13 =	sand.u32 $0x1FFFFFF0, s29;
	s28 =	spop (v2sf);
	(v2sf) =	vpush v0, $0xC  }
0x2a: {  	s1 =	sadd.s32 s3, s1;
	s28 =	sand.u32 $0x1FFFFFF0, s28;
	s29 =	spop (v2sf)  }
0x2b: {  	[tilespmem:s0], [sflag:$0x1] =	stream.linear.gather [hbm4b:s1+s2], $0x80, $0x38;
	(v2sf) =	vpush v0, $0xD;
	[tilespmem:$0x10400] =	vst v63  }
0x2c: {  	s0 =	sadd.s32 s3, s28;
	s1 =	sand.u32 $0x1FFFFFF0, s29;
	s28 =	spop (v2sf)  }
0x2d: {  	[tilespmem:s11], [sflag:$0x1] =	stream.linear.gather [hbm4b:s0+s2], $0x80, $0x38;
	(v2sf) =	vpush v0, $0xE;
	[tilespmem:$0x10400] =	vst v63  }
0x2e: {  	s0 =	sadd.s32 s3, s13;
	s11 =	sand.u32 $0x1FFFFFF0, s28;
	s13 =	spop (v2sf)  }
0x2f: {  	[tilespmem:s30], [sflag:$0x1] =	stream.linear.gather [hbm4b:s0+s2], $0x80, $0x38;
	(v2sf) =	vpush v0, $0xF;
	[tilespmem:$0x10400] =	vst v63  }
0x30: {  	s0 =	sadd.s32 s3, s1;
	s1 =	sand.u32 $0x1FFFFFF0, s13;
	s13 =	spop (v2sf)  }
0x31: {  	[tilespmem:s26], [sflag:$0x1] =	stream.linear.gather [hbm4b:s0+s2], $0x80, $0x38;
	[tilespmem:$0x10400] =	vst v63  }
0x32: {  	s0 =	sadd.s32 s3, s11;
	s11 =	sand.u32 $0x1FFFFFF0, s13;
	s13 =	spop (v2sf)  }
0x33: {  	[tilespmem:s31], [sflag:$0x1] =	stream.linear.gather [hbm4b:s0+s2], $0x80, $0x38;
	[tilespmem:$0x10400] =	vst v63  }
0x34: {  	s0 =	sadd.s32 s3, s1;
	s1 =	sand.u32 $0x1FFFFFF0, s13;
	s13 =	spop (v2sf)  }
0x35: {  	[tilespmem:s24], [sflag:$0x1] =	stream.linear.gather [hbm4b:s0+s2], $0x80, $0x38;
	[tilespmem:$0x10400] =	vst v63  }
0x36: {  	s0 =	sadd.s32 s3, s11;
	s11 =	sand.u32 $0x1FFFFFF0, s13;
	s13 =	spop (v2sf)  }
0x37: {  	[tilespmem:s23], [sflag:$0x1] =	stream.linear.gather [hbm4b:s0+s2], $0x80, $0x38;
	[tilespmem:$0x10400] =	vst v63  }
0x38: {  	s0 =	sadd.s32 s3, s1;
	s1 =	sand.u32 $0x1FFFFFF0, s13;
	s13 =	spop (v2sf)  }
0x39: {  	[tilespmem:s25], [sflag:$0x1] =	stream.linear.gather [hbm4b:s0+s2], $0x80, $0x38;
	[tilespmem:$0x10400] =	vst v63  }
0x3a: {  	s0 =	sadd.s32 s3, s11;
	s11 =	sand.u32 $0x1FFFFFF0, s13;
	s13 =	spop (v2sf)  }
0x3b: {  	[tilespmem:s22], [sflag:$0x1] =	stream.linear.gather [hbm4b:s0+s2], $0x80, $0x38;
	[tilespmem:$0x10400] =	vst v63  }
0x3c: {  	s0 =	sadd.s32 s3, s1;
	s1 =	sand.u32 $0x1FFFFFF0, s13;
	s13 =	spop (v2sf)  }
0x3d: {  	[tilespmem:s21], [sflag:$0x1] =	stream.linear.gather [hbm4b:s0+s2], $0x80, $0x38;
	[tilespmem:$0x10400] =	vst v63  }
0x3e: {  	s0 =	sadd.s32 s3, s11;
	s11 =	sand.u32 $0x1FFFFFF0, s13;
	s13 =	spop (v2sf)  }
0x3f: {  	[tilespmem:s19], [sflag:$0x1] =	stream.linear.gather [hbm4b:s0+s2], $0x80, $0x38;
	[tilespmem:$0x10400] =	vst v63  }
0x40: {  	s0 =	sadd.s32 s3, s1;
	s1 =	sand.u32 $0x1FFFFFF0, s13  }
0x41: {  	[tilespmem:s20], [sflag:$0x1] =	stream.linear.gather [hbm4b:s0+s2], $0x80, $0x38;
	[tilespmem:$0x10400] =	vst v63  }
0x42: {  	s11 =	sadd.s32 s3, s11;
	s0 =	sadd.s32 $0xB00, s15  }
0x43: {  	[tilespmem:s0], [sflag:$0x1] =	stream.linear.gather [hbm4b:s11+s2], $0x80, $0x38;
	[tilespmem:$0x10400] =	vst v63  }
0x44: {  	s1 =	sadd.s32 s3, s1;
	s0 =	sadd.s32 $0xB80, s15  }
0x45: {  	[tilespmem:s0], [sflag:$0x1] =	stream.linear.gather [hbm4b:s1+s2], $0x80, $0x38;
	[tilespmem:$0x10400] =	vst v63  }
0x46: {  	v0 =	vld [tilespmem:s17+$0x0];
	_ =	sdelay $0x4  }
0x47: {  	v0 =	vshll.u32 v0, $0x4  }
0x48: {  	(v2sf) =	vpush v0, $0x0  }
0x49: {  	(v2sf) =	vpush v0, $0x1  }
0x4a: {  	(v2sf) =	vpush v0, $0x2;
	_ =	sdelay $0x1  }
0x4b: {  	(v2sf) =	vpush v0, $0x4  }
.Ltmp0:
0x4c: {  	(pc) =	sbr.rel @p0 .LBB2_2-.Ltmp0, $3  }
0x4d: {  	(v2sf) =	vpush v0, $0x3  }
0x4e: {  	(v2sf) =	vpush v0, $0x5;
	_ =	sdelay $0x1  }
0x4f: {  	s15 =	sshra.s32 s18, $0x2;
	(v2sf) =	vpush v0, $0x6  }
0x50: {  	_ =	sdelay $0x1  }
0x51: {  	s0 =	sadd.s32 $0x480, s15;
	s18 =	sadd.s32 $0x980, s15  }
0x52: {  	s1 =	sadd.s32 $0x780, s15;
	s16 =	sadd.s32 $0xA00, s15;
	(v2sf) =	vpush v0, $0x7;
	s11 =	sadd.s32 $0x680, s15  }
0x53: {  	s13 =	sadd.s32 $0x800, s15;
	s17 =	sadd.s32 $0xA80, s15;
	s19 =	sadd.s32 $0x400, s15  }
0x54: {  	s20 =	sadd.s32 $0x600, s15;
	s21 =	sadd.s32 $0x700, s15;
	(v2sf) =	vpush v0, $0x8;
	s22 =	spop (v2sf)  }
0x55: {  	s23 =	sadd.s32 $0x500, s15;
	s22 =	sand.u32 $0x1FFFFFF0, s22;
	s24 =	spop (v2sf)  }
0x56: {  	(v2sf) =	vpush v0, $0x9;
	s22 =	sadd.s32 s3, s22;
	s24 =	sand.u32 $0x1FFFFFF0, s24;
	s25 =	spop (v2sf)  }
0x57: {  	[tilespmem:s19], [sflag:$0x1] =	stream.linear.gather [hbm4b:s22+s2], $0x80, $0x38;
	[tilespmem:$0x10400] =	vst v63  }
0x58: {  	s26 =	sadd.s32 $0x580, s15;
	(v2sf) =	vpush v0, $0xA;
	s30 =	sadd.s32 s3, s24;
	s31 =	spop (v2sf)  }
0x59: {  	[tilespmem:s0], [sflag:$0x1] =	stream.linear.gather [hbm4b:s30+s2], $0x80, $0x38;
	[tilespmem:$0x10400] =	vst v63  }
0x5a: {  	s19 =	sadd.s32 $0x900, s15;
	s28 =	sand.u32 $0x1FFFFFF0, s25;
	(v2sf) =	vpush v0, $0xB;
	s29 =	spop (v2sf)  }
0x5b: {  	s22 =	sadd.s32 s3, s28;
	s0 =	sadd.s32 $0x880, s15;
	s25 =	sand.u32 $0x1FFFFFF0, s29  }
0x5c: {  	(v2sf) =	vpush v0, $0xC;
	[tilespmem:s23], [sflag:$0x1] =	stream.linear.gather [hbm4b:s22+s2], $0x80, $0x38;
	[tilespmem:$0x10400] =	vst v63  }
0x5d: {  	s30 =	sand.u32 $0x1FFFFFF0, s31;
	s31 =	spop (v2sf);
	s28 =	sadd.s32 s3, s25  }
0x5e: {  	(v2sf) =	vpush v0, $0xD;
	[tilespmem:s26], [sflag:$0x1] =	stream.linear.gather [hbm4b:s28+s2], $0x80, $0x38;
	[tilespmem:$0x10400] =	vst v63  }
0x5f: {  	s22 =	sadd.s32 s3, s30;
	s23 =	sand.u32 $0x1FFFFFF0, s31;
	s29 =	spop (v2sf)  }
0x60: {  	(v2sf) =	vpush v0, $0xE;
	[tilespmem:s20], [sflag:$0x1] =	stream.linear.gather [hbm4b:s22+s2], $0x80, $0x38;
	[tilespmem:$0x10400] =	vst v63  }
0x61: {  	s23 =	sadd.s32 s3, s23;
	s30 =	sand.u32 $0x1FFFFFF0, s29;
	s31 =	spop (v2sf)  }
0x62: {  	(v2sf) =	vpush v0, $0xF;
	[tilespmem:s11], [sflag:$0x1] =	stream.linear.gather [hbm4b:s23+s2], $0x80, $0x38;
	[tilespmem:$0x10400] =	vst v63  }
0x63: {  	s24 =	sand.u32 $0x1FFFFFF0, s31;
	s25 =	spop (v2sf);
	s20 =	sadd.s32 s3, s30  }
0x64: {  	[tilespmem:s21], [sflag:$0x1] =	stream.linear.gather [hbm4b:s20+s2], $0x80, $0x38;
	[tilespmem:$0x10400] =	vst v63  }
0x65: {  	s26 =	sand.u32 $0x1FFFFFF0, s25;
	s11 =	sadd.s32 s3, s24;
	s28 =	spop (v2sf)  }
0x66: {  	[tilespmem:s1], [sflag:$0x1] =	stream.linear.gather [hbm4b:s11+s2], $0x80, $0x38;
	[tilespmem:$0x10400] =	vst v63  }
0x67: {  	s20 =	sadd.s32 s3, s26;
	s29 =	sand.u32 $0x1FFFFFF0, s28;
	s30 =	spop (v2sf)  }
0x68: {  	[tilespmem:s13], [sflag:$0x1] =	stream.linear.gather [hbm4b:s20+s2], $0x80, $0x38;
	[tilespmem:$0x10400] =	vst v63  }
0x69: {  	s11 =	sand.u32 $0x1FFFFFF0, s30;
	s1 =	sadd.s32 s3, s29;
	s31 =	spop (v2sf)  }
0x6a: {  	[tilespmem:s0], [sflag:$0x1] =	stream.linear.gather [hbm4b:s1+s2], $0x80, $0x38;
	[tilespmem:$0x10400] =	vst v63  }
0x6b: {  	s11 =	sadd.s32 s3, s11;
	s13 =	sand.u32 $0x1FFFFFF0, s31;
	s20 =	spop (v2sf)  }
0x6c: {  	[tilespmem:s19], [sflag:$0x1] =	stream.linear.gather [hbm4b:s11+s2], $0x80, $0x38;
	[tilespmem:$0x10400] =	vst v63  }
0x6d: {  	s0 =	sadd.s32 s3, s13;
	s1 =	sand.u32 $0x1FFFFFF0, s20;
	s21 =	spop (v2sf)  }
0x6e: {  	[tilespmem:s18], [sflag:$0x1] =	stream.linear.gather [hbm4b:s0+s2], $0x80, $0x38;
	[tilespmem:$0x10400] =	vst v63  }
0x6f: {  	s22 =	sand.u32 $0x1FFFFFF0, s21;
	s1 =	sadd.s32 s3, s1;
	s23 =	spop (v2sf)  }
0x70: {  	[tilespmem:s16], [sflag:$0x1] =	stream.linear.gather [hbm4b:s1+s2], $0x80, $0x38;
	[tilespmem:$0x10400] =	vst v63  }
0x71: {  	s24 =	sand.u32 $0x1FFFFFF0, s23;
	s25 =	spop (v2sf);
	s0 =	sadd.s32 s3, s22  }
0x72: {  	[tilespmem:s17], [sflag:$0x1] =	stream.linear.gather [hbm4b:s0+s2], $0x80, $0x38;
	[tilespmem:$0x10400] =	vst v63  }
0x73: {  	s28 =	sadd.s32 $0xB00, s15;
	s26 =	sand.u32 $0x1FFFFFF0, s25;
	s1 =	sadd.s32 s3, s24  }
0x74: {  	[tilespmem:s28], [sflag:$0x1] =	stream.linear.gather [hbm4b:s1+s2], $0x80, $0x38;
	[tilespmem:$0x10400] =	vst v63  }
0x75: {  	s29 =	sadd.s32 $0xB80, s15;
	s0 =	sadd.s32 s3, s26  }
0x76: {  	[tilespmem:s29], [sflag:$0x1] =	stream.linear.gather [hbm4b:s0+s2], $0x80, $0x38;
	[tilespmem:$0x10400] =	vst v63  }
0x77: {  	_ =	swait.ge [sflag:s12], $0x4000  }
0x78: {  	[sflag:s12] =	ssyncset.done $0x0  }
0x79: {  	[sflag:s12] =	ssyncadd.s32 $0xFFFFC000  }
0x7a: {  	_ =	swait.ge [sflag:s12], $0x4000  }
0x7b: {  	[sflag:s12] =	ssyncset.done $0x0  }
0x7c: {  	[sflag:s12] =	ssyncadd.s32 $0xFFFFC000  }
0x7d: {  	_ =	swait.ge [sflag:s12], $0x4000  }
0x7e: {  	[sflag:s12] =	ssyncset.done $0x0  }
0x7f: {  	[sflag:s12] =	ssyncadd.s32 $0xFFFFC000  }
0x80: {  	_ =	swait.ge [sflag:s12], $0x4000  }
0x81: {  	[sflag:s12] =	ssyncset.done $0x0  }
0x82: {  	s30 =	simm.s32 $0x0;
	s31 =	simm.s32 $0x400;
	[sflag:s12] =	ssyncadd.s32 $0xFFFFC000  }
0x83: {  	[hbm4b:s7+s30] =	stream.linear.scatter [tilespmem:s31], [sflag:$0x2], $0x10000, $0x38;
	[tilespmem:$0x10400] =	vst v63  }
0x84: {  	_ =	swait.ge [sflag:s10], $0x10000  }
0x85: {  	[sflag:s10] =	ssyncset.done $0x0  }
0x86: {  	s16 =	simm.s32 $0x200;
	[sflag:s10] =	ssyncadd.s32 $0xFFFF0000  }
0x87: {  	v0 =	vld [tilespmem:s16+$0x0];
	_ =	sdelay $0x4  }
0x88: {  	v0 =	vshll.u32 v0, $0x4  }
0x89: {  	(v2sf) =	vpush v0, $0x0  }
0x8a: {  	(v2sf) =	vpush v0, $0x1  }
0x8b: {  	(v2sf) =	vpush v0, $0x2;
	_ =	sdelay $0x1  }
0x8c: {  	(v2sf) =	vpush v0, $0x4;
	_ =	sdelay $0x1  }
0x8d: {  	(v2sf) =	vpush v0, $0x3  }
0x8e: {  	(v2sf) =	vpush v0, $0x5  }
0x8f: {  	s15 =	simm.s32 $0x0;
	s17 =	simm.s32 $0x2000;
	(v2sf) =	vpush v0, $0x6  }
.LBB2_4:
0x90: {  	p0 =	sne.s32 s17, $0x3E000  }
0x91: {  	s0 =	sadd.s32 $0x480, s15;
	s21 =	sadd.s32 $0x980, s15;
	s18 =	smov.u32 s17  }
0x92: {  	s17 =	sadd.s32 $0x2000, s17;
	s24 =	sadd.s32 $0x780, s15;
	s19 =	sadd.s32 $0xA00, s15;
	(v2sf) =	vpush v0, $0x7  }
0x93: {  	s26 =	sadd.s32 $0x680, s15;
	s23 =	sadd.s32 $0x800, s15;
	s20 =	sadd.s32 $0xA80, s15  }
0x94: {  	s1 =	sadd.s32 $0x400, s15;
	s11 =	sadd.s32 $0x600, s15;
	(v2sf) =	vpush v0, $0x8  }
0x95: {  	s13 =	sadd.s32 $0x700, s15;
	s16 =	sadd.s32 $0x10, s16  }
0x96: {  	s28 =	sadd.s32 $0x500, s15;
	s22 =	sadd.s32 $0x900, s15;
	s25 =	spop (v2sf);
	(v2sf) =	vpush v0, $0x9  }
0x97: {  	s29 =	sand.u32 $0x1FFFFFF0, s25;
	s25 =	sadd.s32 $0x880, s15;
	s30 =	spop (v2sf)  }
0x98: {  	s29 =	sadd.s32 s4, s29;
	s30 =	sand.u32 $0x1FFFFFF0, s30;
	s31 =	spop (v2sf);
	(v2sf) =	vpush v0, $0xA  }
0x99: {  	[tilespmem:s1], [sflag:$0x1] =	stream.linear.gather [hbm4b:s29+s2], $0x80, $0x38;
	[tilespmem:$0x10400] =	vst v63  }
0x9a: {  	s1 =	sadd.s32 s4, s30;
	s29 =	sadd.s32 $0x580, s15;
	s30 =	spop (v2sf);
	(v2sf) =	vpush v0, $0xB  }
0x9b: {  	[tilespmem:s0], [sflag:$0x1] =	stream.linear.gather [hbm4b:s1+s2], $0x80, $0x38;
	[tilespmem:$0x10400] =	vst v63  }
0x9c: {  	s0 =	sand.u32 $0x1FFFFFF0, s31;
	s1 =	sand.u32 $0x1FFFFFF0, s30;
	s30 =	spop (v2sf);
	(v2sf) =	vpush v0, $0xC  }
0x9d: {  	s0 =	sadd.s32 s4, s0;
	s30 =	sand.u32 $0x1FFFFFF0, s30;
	s31 =	spop (v2sf)  }
0x9e: {  	[tilespmem:s28], [sflag:$0x1] =	stream.linear.gather [hbm4b:s0+s2], $0x80, $0x38;
	(v2sf) =	vpush v0, $0xD;
	[tilespmem:$0x10400] =	vst v63  }
0x9f: {  	s0 =	sadd.s32 s4, s30;
	s28 =	sand.u32 $0x1FFFFFF0, s31;
	s30 =	spop (v2sf)  }
0xa0: {  	[tilespmem:s29], [sflag:$0x1] =	stream.linear.gather [hbm4b:s0+s2], $0x80, $0x38;
	(v2sf) =	vpush v0, $0xE;
	[tilespmem:$0x10400] =	vst v63  }
0xa1: {  	s0 =	sadd.s32 s4, s1;
	s1 =	sand.u32 $0x1FFFFFF0, s30;
	s29 =	spop (v2sf)  }
0xa2: {  	[tilespmem:s11], [sflag:$0x1] =	stream.linear.gather [hbm4b:s0+s2], $0x80, $0x38;
	(v2sf) =	vpush v0, $0xF;
	[tilespmem:$0x10400] =	vst v63  }
0xa3: {  	s0 =	sadd.s32 s4, s28;
	s11 =	sand.u32 $0x1FFFFFF0, s29;
	s28 =	spop (v2sf)  }
0xa4: {  	[tilespmem:s26], [sflag:$0x1] =	stream.linear.gather [hbm4b:s0+s2], $0x80, $0x38;
	[tilespmem:$0x10400] =	vst v63  }
0xa5: {  	s0 =	sadd.s32 s4, s1;
	s1 =	sand.u32 $0x1FFFFFF0, s28;
	s26 =	spop (v2sf)  }
0xa6: {  	[tilespmem:s13], [sflag:$0x1] =	stream.linear.gather [hbm4b:s0+s2], $0x80, $0x38;
	[tilespmem:$0x10400] =	vst v63  }
0xa7: {  	s0 =	sadd.s32 s4, s11;
	s11 =	sand.u32 $0x1FFFFFF0, s26;
	s13 =	spop (v2sf)  }
0xa8: {  	[tilespmem:s24], [sflag:$0x1] =	stream.linear.gather [hbm4b:s0+s2], $0x80, $0x38;
	[tilespmem:$0x10400] =	vst v63  }
0xa9: {  	s0 =	sadd.s32 s4, s1;
	s1 =	sand.u32 $0x1FFFFFF0, s13;
	s13 =	spop (v2sf)  }
0xaa: {  	[tilespmem:s23], [sflag:$0x1] =	stream.linear.gather [hbm4b:s0+s2], $0x80, $0x38;
	[tilespmem:$0x10400] =	vst v63  }
0xab: {  	s0 =	sadd.s32 s4, s11;
	s11 =	sand.u32 $0x1FFFFFF0, s13;
	s13 =	spop (v2sf)  }
0xac: {  	[tilespmem:s25], [sflag:$0x1] =	stream.linear.gather [hbm4b:s0+s2], $0x80, $0x38;
	[tilespmem:$0x10400] =	vst v63  }
0xad: {  	s0 =	sadd.s32 s4, s1;
	s1 =	sand.u32 $0x1FFFFFF0, s13;
	s13 =	spop (v2sf)  }
0xae: {  	[tilespmem:s22], [sflag:$0x1] =	stream.linear.gather [hbm4b:s0+s2], $0x80, $0x38;
	[tilespmem:$0x10400] =	vst v63  }
0xaf: {  	s0 =	sadd.s32 s4, s11;
	s11 =	sand.u32 $0x1FFFFFF0, s13;
	s13 =	spop (v2sf)  }
0xb0: {  	[tilespmem:s21], [sflag:$0x1] =	stream.linear.gather [hbm4b:s0+s2], $0x80, $0x38;
	[tilespmem:$0x10400] =	vst v63  }
0xb1: {  	s0 =	sadd.s32 s4, s1;
	s1 =	sand.u32 $0x1FFFFFF0, s13;
	s13 =	spop (v2sf)  }
0xb2: {  	[tilespmem:s19], [sflag:$0x1] =	stream.linear.gather [hbm4b:s0+s2], $0x80, $0x38;
	[tilespmem:$0x10400] =	vst v63  }
0xb3: {  	s0 =	sadd.s32 s4, s11;
	s11 =	sand.u32 $0x1FFFFFF0, s13  }
0xb4: {  	[tilespmem:s20], [sflag:$0x1] =	stream.linear.gather [hbm4b:s0+s2], $0x80, $0x38;
	[tilespmem:$0x10400] =	vst v63  }
0xb5: {  	s1 =	sadd.s32 s4, s1;
	s0 =	sadd.s32 $0xB00, s15  }
0xb6: {  	[tilespmem:s0], [sflag:$0x1] =	stream.linear.gather [hbm4b:s1+s2], $0x80, $0x38;
	[tilespmem:$0x10400] =	vst v63  }
0xb7: {  	s0 =	sadd.s32 $0xB80, s15;
	s1 =	sadd.s32 s4, s11  }
0xb8: {  	[tilespmem:s0], [sflag:$0x1] =	stream.linear.gather [hbm4b:s1+s2], $0x80, $0x38;
	[tilespmem:$0x10400] =	vst v63  }
0xb9: {  	v0 =	vld [tilespmem:s16+$0x0];
	_ =	sdelay $0x4  }
0xba: {  	v0 =	vshll.u32 v0, $0x4  }
0xbb: {  	(v2sf) =	vpush v0, $0x0  }
0xbc: {  	(v2sf) =	vpush v0, $0x1  }
0xbd: {  	(v2sf) =	vpush v0, $0x2;
	_ =	sdelay $0x1  }
0xbe: {  	(v2sf) =	vpush v0, $0x4  }
.Ltmp1:
0xbf: {  	(pc) =	sbr.rel @p0 .LBB2_4-.Ltmp1, $3  }
0xc0: {  	(v2sf) =	vpush v0, $0x3  }
0xc1: {  	(v2sf) =	vpush v0, $0x5;
	_ =	sdelay $0x1  }
0xc2: {  	s15 =	sshra.s32 s18, $0x2;
	(v2sf) =	vpush v0, $0x6  }
0xc3: {  	_ =	sdelay $0x1  }
0xc4: {  	s0 =	sadd.s32 $0x480, s15;
	s18 =	sadd.s32 $0x980, s15  }
0xc5: {  	s1 =	sadd.s32 $0x780, s15;
	s16 =	sadd.s32 $0xA00, s15;
	(v2sf) =	vpush v0, $0x7;
	s11 =	sadd.s32 $0x680, s15  }
0xc6: {  	s13 =	sadd.s32 $0x800, s15;
	s17 =	sadd.s32 $0xA80, s15;
	s19 =	sadd.s32 $0x400, s15  }
0xc7: {  	s20 =	sadd.s32 $0x600, s15;
	s21 =	sadd.s32 $0x700, s15;
	(v2sf) =	vpush v0, $0x8;
	s22 =	spop (v2sf)  }
0xc8: {  	s23 =	sadd.s32 $0x500, s15;
	s22 =	sand.u32 $0x1FFFFFF0, s22;
	s24 =	spop (v2sf)  }
0xc9: {  	(v2sf) =	vpush v0, $0x9;
	s22 =	sadd.s32 s4, s22;
	s24 =	sand.u32 $0x1FFFFFF0, s24;
	s25 =	spop (v2sf)  }
0xca: {  	[tilespmem:s19], [sflag:$0x1] =	stream.linear.gather [hbm4b:s22+s2], $0x80, $0x38;
	[tilespmem:$0x10400] =	vst v63  }
0xcb: {  	s26 =	sadd.s32 $0x580, s15;
	(v2sf) =	vpush v0, $0xA;
	s30 =	sadd.s32 s4, s24;
	s31 =	spop (v2sf)  }
0xcc: {  	[tilespmem:s0], [sflag:$0x1] =	stream.linear.gather [hbm4b:s30+s2], $0x80, $0x38;
	[tilespmem:$0x10400] =	vst v63  }
0xcd: {  	s19 =	sadd.s32 $0x900, s15;
	s28 =	sand.u32 $0x1FFFFFF0, s25;
	(v2sf) =	vpush v0, $0xB;
	s29 =	spop (v2sf)  }
0xce: {  	s22 =	sadd.s32 s4, s28;
	s0 =	sadd.s32 $0x880, s15;
	s25 =	sand.u32 $0x1FFFFFF0, s29  }
0xcf: {  	(v2sf) =	vpush v0, $0xC;
	[tilespmem:s23], [sflag:$0x1] =	stream.linear.gather [hbm4b:s22+s2], $0x80, $0x38;
	[tilespmem:$0x10400] =	vst v63  }
0xd0: {  	s30 =	sand.u32 $0x1FFFFFF0, s31;
	s31 =	spop (v2sf);
	s28 =	sadd.s32 s4, s25  }
0xd1: {  	(v2sf) =	vpush v0, $0xD;
	[tilespmem:s26], [sflag:$0x1] =	stream.linear.gather [hbm4b:s28+s2], $0x80, $0x38;
	[tilespmem:$0x10400] =	vst v63  }
0xd2: {  	s22 =	sadd.s32 s4, s30;
	s23 =	sand.u32 $0x1FFFFFF0, s31;
	s29 =	spop (v2sf)  }
0xd3: {  	(v2sf) =	vpush v0, $0xE;
	[tilespmem:s20], [sflag:$0x1] =	stream.linear.gather [hbm4b:s22+s2], $0x80, $0x38;
	[tilespmem:$0x10400] =	vst v63  }
0xd4: {  	s23 =	sadd.s32 s4, s23;
	s30 =	sand.u32 $0x1FFFFFF0, s29;
	s31 =	spop (v2sf)  }
0xd5: {  	(v2sf) =	vpush v0, $0xF;
	[tilespmem:s11], [sflag:$0x1] =	stream.linear.gather [hbm4b:s23+s2], $0x80, $0x38;
	[tilespmem:$0x10400] =	vst v63  }
0xd6: {  	s24 =	sand.u32 $0x1FFFFFF0, s31;
	s25 =	spop (v2sf);
	s20 =	sadd.s32 s4, s30  }
0xd7: {  	[tilespmem:s21], [sflag:$0x1] =	stream.linear.gather [hbm4b:s20+s2], $0x80, $0x38;
	[tilespmem:$0x10400] =	vst v63  }
0xd8: {  	s26 =	sand.u32 $0x1FFFFFF0, s25;
	s11 =	sadd.s32 s4, s24;
	s28 =	spop (v2sf)  }
0xd9: {  	[tilespmem:s1], [sflag:$0x1] =	stream.linear.gather [hbm4b:s11+s2], $0x80, $0x38;
	[tilespmem:$0x10400] =	vst v63  }
0xda: {  	s20 =	sadd.s32 s4, s26;
	s29 =	sand.u32 $0x1FFFFFF0, s28;
	s30 =	spop (v2sf)  }
0xdb: {  	[tilespmem:s13], [sflag:$0x1] =	stream.linear.gather [hbm4b:s20+s2], $0x80, $0x38;
	[tilespmem:$0x10400] =	vst v63  }
0xdc: {  	s11 =	sand.u32 $0x1FFFFFF0, s30;
	s1 =	sadd.s32 s4, s29;
	s31 =	spop (v2sf)  }
0xdd: {  	[tilespmem:s0], [sflag:$0x1] =	stream.linear.gather [hbm4b:s1+s2], $0x80, $0x38;
	[tilespmem:$0x10400] =	vst v63  }
0xde: {  	s11 =	sadd.s32 s4, s11;
	s20 =	sand.u32 $0x1FFFFFF0, s31;
	s21 =	spop (v2sf)  }
0xdf: {  	[tilespmem:s19], [sflag:$0x1] =	stream.linear.gather [hbm4b:s11+s2], $0x80, $0x38;
	[tilespmem:$0x10400] =	vst v63  }
0xe0: {  	s0 =	sadd.s32 s4, s20;
	s1 =	sand.u32 $0x1FFFFFF0, s21;
	s22 =	spop (v2sf)  }
0xe1: {  	[tilespmem:s18], [sflag:$0x1] =	stream.linear.gather [hbm4b:s0+s2], $0x80, $0x38;
	[tilespmem:$0x10400] =	vst v63  }
0xe2: {  	s23 =	sand.u32 $0x1FFFFFF0, s22;
	s1 =	sadd.s32 s4, s1;
	s24 =	spop (v2sf)  }
0xe3: {  	[tilespmem:s16], [sflag:$0x1] =	stream.linear.gather [hbm4b:s1+s2], $0x80, $0x38;
	[tilespmem:$0x10400] =	vst v63  }
0xe4: {  	s25 =	sand.u32 $0x1FFFFFF0, s24;
	s26 =	spop (v2sf);
	s0 =	sadd.s32 s4, s23  }
0xe5: {  	[tilespmem:s17], [sflag:$0x1] =	stream.linear.gather [hbm4b:s0+s2], $0x80, $0x38;
	[tilespmem:$0x10400] =	vst v63  }
0xe6: {  	s29 =	sadd.s32 $0xB00, s15;
	s28 =	sand.u32 $0x1FFFFFF0, s26;
	s1 =	sadd.s32 s4, s25  }
0xe7: {  	[tilespmem:s29], [sflag:$0x1] =	stream.linear.gather [hbm4b:s1+s2], $0x80, $0x38;
	[tilespmem:$0x10400] =	vst v63  }
0xe8: {  	s30 =	sadd.s32 $0xB80, s15;
	s0 =	sadd.s32 s4, s28  }
0xe9: {  	[tilespmem:s30], [sflag:$0x1] =	stream.linear.gather [hbm4b:s0+s2], $0x80, $0x38;
	[tilespmem:$0x10400] =	vst v63  }
0xea: {  	_ =	swait.ge [sflag:s12], $0x4000  }
0xeb: {  	[sflag:s12] =	ssyncset.done $0x0  }
0xec: {  	[sflag:s12] =	ssyncadd.s32 $0xFFFFC000  }
0xed: {  	_ =	swait.ge [sflag:s12], $0x4000  }
0xee: {  	[sflag:s12] =	ssyncset.done $0x0  }
0xef: {  	[sflag:s12] =	ssyncadd.s32 $0xFFFFC000  }
0xf0: {  	_ =	swait.ge [sflag:s12], $0x4000  }
0xf1: {  	[sflag:s12] =	ssyncset.done $0x0  }
0xf2: {  	[sflag:s12] =	ssyncadd.s32 $0xFFFFC000  }
0xf3: {  	s14 =	sadd.s32 $0x1, s14;
	_ =	swait.ge [sflag:s12], $0x4000  }
0xf4: {  	p0 =	sne.s32 s14, s9;
	[sflag:s12] =	ssyncset.done $0x0  }
.Ltmp2:
0xf5: {  	s31 =	simm.s32 $0x400;
	[sflag:s12] =	ssyncadd.s32 $0xFFFFC000;
	(pc) =	sbr.rel @p0 .LBB2_1-.Ltmp2, $4  }
0xf6: {  	[hbm4b:s8+s2] =	stream.linear.scatter [tilespmem:s31], [sflag:$0x2], $0x10000, $0x38;
	[tilespmem:$0x10400] =	vst v63  }
0xf7: {  	_ =	swait.ge [sflag:s10], $0x10000  }
0xf8: {  	[sflag:s10] =	ssyncset.done $0x0  }
0xf9: {  	[sflag:s10] =	ssyncadd.s32 $0xFFFF0000  }
0xfa: {  	_ =	sfence.sel $0x180000  }
0xfb: {  	[bflag:$0x0] =	sbarrier.arrive $0xFFFF  }
0xfc: {  	_ =	strace $0x90000047  }
0xfd: {  	s0 =	stileid.u32;
	[bflag:$0x2] =	sbarrier.arrive $0xFFFF  }
0xfe: {  	p0 =	sne.s32 s0, $0x0;
	s0 =	rddreg [dreg:$0x3]  }
0xff: {  	s0 =	sadd.s32 @!p0 $0x100000, s0  }
0x100: {  	[sflag:s0] =	ssyncadd.tile.s32 @!p0 $0x1;
	_ =	shalt  }
.Lfunc_end2:
_tile_overlayer_lowered:
.L_overlay_start_2:
0x101: {  	(tag) =	ssettag $0x2  }
0x102: {  	s0 =	rddreg [dreg:$0x0];
	s2 =	stileid.u32  }
0x103: {  	s1 =	rddreg [dreg:$0x1];
	p0 =	sne.s32 s2, $0x0  }
0x104: {  	s3 =	rddreg [dreg:$0x2];
	[bflag:$0x3] =	sbarrier.arrive $0xFFFF;
	s2 =	simm.s32 @!p0 $0x1C02  }
0x105: {  	[timem:s3], [sflag:s2] =	dma.local @!p0 [hbm:s0], s1  }
0x106: {  	s0 =	simm.s32 @!p0 $0x2  }
0x107: {  	_ =	swait.ge @!p0 [sflag:s0], s1  }
0x108: {  	s1 =	ssub.s32 @!p0 $0x0, s1;
	[sflag:s0] =	ssyncset.done @!p0 $0x0  }
0x109: {  	[sflag:s0] =	ssyncadd.s32 @!p0 s1  }
0x10a: {  	[bflag:$0x3] =	sbarrier.arrive $0xFFFF  }
0x10b: {  	_ =	shalt  }

</sc_bundles>
